<compile_context>
chip_gen: v7x
topology: tpu7x:2x2x1
jax: 0.10.2.dev20260603
libtpu: 0.0.44.dev20260713+nightly
codegen_flags: <defaults>
</compile_context>

<pallas_src>
import functools

import jax
import jax.numpy as jnp
from jax import lax
from jax.experimental import pallas as pl
from jax.experimental.pallas import tpu as pltpu
from jax.experimental.pallas import tpu_sc as plsc

N = 10000
E = 320000
ND = 128
ED = 16
NC = 2
NS = 16
NW = NC * NS
EPW = E // NW
K = 80
CH = EPW // K
RA = 624

_sc_mesh = plsc.VectorSubcoreMesh(core_axis_name="c", subcore_axis_name="s")


@functools.partial(
    pl.kernel,
    out_type=[jax.ShapeDtypeStruct((NC, N, ND), jnp.float32)],
    mesh=_sc_mesh,
    scratch_types=[
        pltpu.VMEM_SHARED((N, ND), jnp.float32),
        pltpu.VMEM((K,), jnp.int32),
        pltpu.VMEM((K,), jnp.int32),
        pltpu.VMEM((K,), jnp.int32),
        pltpu.VMEM((K,), jnp.int32),
        pltpu.VMEM((K, ND), jnp.float32),
        pltpu.VMEM((K, ND), jnp.float32),
        pltpu.SemaphoreType.DMA,
        pltpu.SemaphoreType.DMA,
    ],
)
def _sc_seg(h, src1d, dst1d, z128,
            s_out,
            s_sh, src_a, dst_a, src_b, dst_b, rows_a, rows_b, sem_a, sem_b):
    c = lax.axis_index("c")
    s = lax.axis_index("s")
    wid = c * NS + s
    pltpu.sync_copy(z128, s_sh.at[pl.ds(s * RA, RA)])

    @pl.when(s == NS - 1)
    def _():
        pltpu.sync_copy(z128.at[pl.ds(0, N - NS * RA)],
                        s_sh.at[pl.ds(NS * RA, N - NS * RA)])

    plsc.subcore_barrier()

    def load_idx(j, sv, dv):
        base = wid * EPW + j * K
        pltpu.sync_copy(src1d.at[pl.ds(base, K)], sv)
        pltpu.sync_copy(dst1d.at[pl.ds(base, K)], dv)

    load_idx(0, src_a, dst_a)
    pltpu.async_copy(h.at[src_a], rows_a, sem_a)

    def body(i, carry):
        a = 2 * i
        load_idx(a + 1, src_b, dst_b)
        pltpu.make_async_copy(h.at[src_a], rows_a, sem_a).wait()
        pltpu.async_copy(h.at[src_b], rows_b, sem_b)
        pltpu.sync_copy(rows_a, s_sh.at[dst_a], add=True)
        load_idx(a + 2, src_a, dst_a)
        pltpu.make_async_copy(h.at[src_b], rows_b, sem_b).wait()
        pltpu.async_copy(h.at[src_a], rows_a, sem_a)
        pltpu.sync_copy(rows_b, s_sh.at[dst_b], add=True)
        return carry

    lax.fori_loop(0, (CH - 1) // 2, body, 0)
    pltpu.make_async_copy(h.at[src_a], rows_a, sem_a).wait()
    pltpu.sync_copy(rows_a, s_sh.at[dst_a], add=True)
    plsc.subcore_barrier()
    pltpu.sync_copy(s_sh.at[pl.ds(s * RA, RA)], s_out.at[c, pl.ds(s * RA, RA)])

    @pl.when(s == NS - 1)
    def _():
        pltpu.sync_copy(s_sh.at[pl.ds(NS * RA, N - NS * RA)],
                        s_out.at[c, pl.ds(NS * RA, N - NS * RA)])


@functools.partial(
    pl.kernel,
    out_type=[jax.ShapeDtypeStruct((NC, N, ND), jnp.float32)],
    mesh=_sc_mesh,
    scratch_types=[
        pltpu.VMEM_SHARED((N, ND), jnp.float32),
        pltpu.VMEM((K,), jnp.int32),
        pltpu.VMEM((K,), jnp.int32),
        pltpu.VMEM((K, ND), jnp.float32),
        pltpu.VMEM((K, ND), jnp.float32),
        pltpu.SemaphoreType.DMA,
        pltpu.SemaphoreType.DMA,
    ],
)
def _sc_td(ea_pad, dst1d, z128,
           td_out,
           td_sh, dst_a, dst_b, erows_a, erows_b, sem_a, sem_b):
    c = lax.axis_index("c")
    s = lax.axis_index("s")
    wid = c * NS + s
    pltpu.sync_copy(z128, td_sh.at[pl.ds(s * RA, RA)])

    @pl.when(s == NS - 1)
    def _():
        pltpu.sync_copy(z128.at[pl.ds(0, N - NS * RA)],
                        td_sh.at[pl.ds(NS * RA, N - NS * RA)])

    plsc.subcore_barrier()

    def stage(j, dv, er, sem):
        base = wid * EPW + j * K
        pltpu.sync_copy(dst1d.at[pl.ds(base, K)], dv)
        return pltpu.async_copy(ea_pad.at[pl.ds(base, K)], er, sem)

    def wait(j, er, sem):
        base = wid * EPW + j * K
        pltpu.make_async_copy(ea_pad.at[pl.ds(base, K)], er, sem).wait()

    stage(0, dst_a, erows_a, sem_a)

    def body(i, carry):
        a = 2 * i
        stage(a + 1, dst_b, erows_b, sem_b)
        wait(a, erows_a, sem_a)
        pltpu.sync_copy(erows_a, td_sh.at[dst_a], add=True)
        stage(a + 2, dst_a, erows_a, sem_a)
        wait(a + 1, erows_b, sem_b)
        pltpu.sync_copy(erows_b, td_sh.at[dst_b], add=True)
        return carry

    lax.fori_loop(0, (CH - 1) // 2, body, 0)
    wait(CH - 1, erows_a, sem_a)
    pltpu.sync_copy(erows_a, td_sh.at[dst_a], add=True)
    plsc.subcore_barrier()
    pltpu.sync_copy(td_sh.at[pl.ds(s * RA, RA)], td_out.at[c, pl.ds(s * RA, RA)])

    @pl.when(s == NS - 1)
    def _():
        pltpu.sync_copy(td_sh.at[pl.ds(NS * RA, N - NS * RA)],
                        td_out.at[c, pl.ds(NS * RA, N - NS * RA)])


BLK = 1000


def _tc_body(h_ref, sp_ref, tdp_ref, wst_ref, wdt_ref, wet_ref,
             bm_ref, wiht_ref, whht_ref, bih_ref, bhh_ref, out_ref):
    h = h_ref[...]
    hbf = h.astype(jnp.bfloat16).astype(jnp.float32)
    s = sp_ref[0] + sp_ref[1]
    td = tdp_ref[0] + tdp_ref[1]
    t = td[:, :ED]
    deg = td[:, ED:ED + 1]
    dot = functools.partial(jnp.dot, preferred_element_type=jnp.float32,
                            precision=jax.lax.Precision.HIGHEST)
    a = (dot(s, wst_ref[...]) + dot(deg * hbf, wdt_ref[...])
         + dot(t, wet_ref[...]) + deg * bm_ref[...])
    abf = a.astype(jnp.bfloat16).astype(jnp.float32)
    gi = dot(abf, wiht_ref[...]) + bih_ref[...]
    gh = dot(hbf, whht_ref[...]) + bhh_ref[...]
    r = jax.nn.sigmoid(gi[:, :ND] + gh[:, :ND])
    z = jax.nn.sigmoid(gi[:, ND:2 * ND] + gh[:, ND:2 * ND])
    n = jnp.tanh(gi[:, 2 * ND:] + r * gh[:, 2 * ND:])
    out_ref[...] = (1.0 - z) * n + z * h


def _tc_round(h, sp, tdp, wst, wdt, wet, bm_row, wiht, whht, bih_row, bhh_row):
    grid = (N // BLK,)
    row_blk = lambda i: (i, 0)
    full = lambda shape: pl.BlockSpec(shape, lambda i: (0,) * len(shape))
    return pl.pallas_call(
        _tc_body,
        grid=grid,
        in_specs=[
            pl.BlockSpec((BLK, ND), row_blk),
            pl.BlockSpec((NC, BLK, ND), lambda i: (0, i, 0)),
            pl.BlockSpec((NC, BLK, ND), lambda i: (0, i, 0)),
            full((ND, ND)),
            full((ND, ND)),
            full((ED, ND)),
            full((1, ND)),
            full((ND, 3 * ND)),
            full((ND, 3 * ND)),
            full((1, 3 * ND)),
            full((1, 3 * ND)),
        ],
        out_specs=pl.BlockSpec((BLK, ND), row_blk),
        out_shape=jax.ShapeDtypeStruct((N, ND), jnp.float32),
    )(h, sp, tdp, wst, wdt, wet, bm_row, wiht, whht, bih_row, bhh_row)


def kernel(x, edge_index, edge_attr, Wm, bm, Wih, Whh, bih, bhh):
    src_s = edge_index[0]
    dst_s = edge_index[1]
    z128 = jnp.zeros((RA, ND), jnp.float32)

    def bf(v):
        return v.astype(jnp.bfloat16).astype(jnp.float32)

    ea_pad = jnp.concatenate(
        [bf(edge_attr),
         jnp.ones((E, 1), jnp.float32),
         jnp.zeros((E, ND - ED - 1), jnp.float32)], axis=1)

    (tdp,) = _sc_td(ea_pad, dst_s, z128)
    (sp,) = _sc_seg(bf(x), src_s, dst_s, z128)

    h = x
    for t in range(2):
        if t == 1:
            (sp,) = _sc_seg(bf(h), src_s, dst_s, z128)
        wst = bf(Wm[t][:, :ND].T)
        wdt = bf(Wm[t][:, ND:2 * ND].T)
        wet = bf(Wm[t][:, 2 * ND:].T)
        h = _tc_round(h, sp, tdp, wst, wdt, wet, bm[t][None],
                      bf(Wih[t].T), bf(Whh[t].T), bih[t][None], bhh[t][None])
    return h

# --- scband reference (transcript-rebuilt; emitter-appended) ---
"""Pipeline reference for scband-sgvae-12146167513746 (READ-ONLY COPY).

The authoritative reference and input builder live on the scoring server;
editing this copy changes nothing except your own understanding.
"""

import jax, jax.numpy as jnp
import numpy as np

ROUNDS = 2
NODE_DIM = 128
MSG_DIM = 128
EDGE_DIM = 16
N = 10000
E = 320000


def setup_inputs(seed: int = 0) -> dict:
    key = jax.random.key(seed)
    ks = jax.random.split(key, 9)
    x = jax.random.normal(ks[0], (N, NODE_DIM), dtype=jnp.float32)
    edge_index = jax.random.randint(ks[1], (2, E), 0, N, dtype=jnp.int32)
    edge_attr = jax.random.normal(ks[2], (E, EDGE_DIM), dtype=jnp.float32)
    # Per-round message MLP: Linear(2*node_dim + edge_dim -> msg_dim)
    Wm = jax.random.normal(ks[3], (ROUNDS, MSG_DIM, 2 * NODE_DIM + EDGE_DIM), dtype=jnp.float32) * 0.05
    bm = jnp.zeros((ROUNDS, MSG_DIM), dtype=jnp.float32)
    # Per-round GRUCell(msg_dim -> node_dim) parameters (torch layout: W_ih [3H, I], W_hh [3H, H])
    Wih = jax.random.normal(ks[4], (ROUNDS, 3 * NODE_DIM, MSG_DIM), dtype=jnp.float32) * 0.05
    Whh = jax.random.normal(ks[5], (ROUNDS, 3 * NODE_DIM, NODE_DIM), dtype=jnp.float32) * 0.05
    bih = jnp.zeros((ROUNDS, 3 * NODE_DIM), dtype=jnp.float32)
    bhh = jnp.zeros((ROUNDS, 3 * NODE_DIM), dtype=jnp.float32)
    return {
        "x": x,
        "edge_index": edge_index,
        "edge_attr": edge_attr,
        "Wm": Wm,
        "bm": bm,
        "Wih": Wih,
        "Whh": Whh,
        "bih": bih,
        "bhh": bhh,
    }


def _gru_cell(a, h, Wih, Whh, bih, bhh):
    gi = a @ Wih.T + bih
    gh = h @ Whh.T + bhh
    i_r, i_z, i_n = jnp.split(gi, 3, axis=1)
    h_r, h_z, h_n = jnp.split(gh, 3, axis=1)
    r = jax.nn.sigmoid(i_r + h_r)
    z = jax.nn.sigmoid(i_z + h_z)
    n = jnp.tanh(i_n + r * h_n)
    return (1.0 - z) * n + z * h


def reference(x, edge_index, edge_attr, Wm, bm, Wih, Whh, bih, bhh):
    # Faithful JAX translation of GraphProp.forward:
    # for each round t:
    #   message m_e = Linear_t([hv_src, hv_dst, he])   (dgmg_msg + message_funcs[t])
    #   a_v = sum over inbound edges of m_e            (dgmg_reduce sum over mailbox)
    #   hv = GRUCell_t(a_v, hv)                        (node_update_funcs[t])
    src = edge_index[0]
    dst = edge_index[1]
    h = x
    for t in range(ROUNDS):
        m_in = jnp.concatenate([h[src], h[dst], edge_attr], axis=1)
        m = m_in @ Wm[t].T + bm[t]
        a = jax.ops.segment_sum(m, dst, num_segments=N)
        h = _gru_cell(a, h, Wih[t], Whh[t], bih[t], bhh[t])
    return h

if __name__ == "__main__":
    import jax
    _d = setup_inputs()
    print(jax.jit(kernel)(*tuple(_d.values())))

</pallas_src>

<mosaic_0001>
#map = affine_map<(d0, d1) -> (0, 0)>
#map1 = affine_map<(d0, d1) -> (0)>
#map2 = affine_map<(d0, d1) -> (0, 0, 0)>
module attributes {stable_mosaic.version = 14 : i64} {
  func.func @_sc_td(%arg0: i32, %arg1: i32, %arg2: memref<320000x128xf32, #tpu.memory_space<hbm>>, %arg3: memref<320000xi32, #tpu.memory_space<hbm>>, %arg4: memref<624x128xf32, #tpu.memory_space<hbm>>, %arg5: memref<2x10000x128xf32, #tpu.memory_space<hbm>>, %arg6: memref<10000x128xf32, #tpu.memory_space<vmem_shared>>, %arg7: memref<80xi32, #tpu.memory_space<vmem>>, %arg8: memref<80xi32, #tpu.memory_space<vmem>>, %arg9: memref<80x128xf32, #tpu.memory_space<vmem>>, %arg10: memref<80x128xf32, #tpu.memory_space<vmem>>, %arg11: memref<!tpu.dma_semaphore, #tpu.memory_space<semaphore_mem>>, %arg12: memref<!tpu.dma_semaphore, #tpu.memory_space<semaphore_mem>>) attributes {dimension_semantics = [#tpu.dimension_semantics<core_parallel>, #tpu.dimension_semantics<subcore_parallel>], iteration_bounds = array<i64: 2, 16>, scalar_prefetch = 0 : i64, scratch_operands = 7 : i64, tpu.core_type = #tpu.core_type<sc_vector_subcore>, window_params = [{transform_indices = #map}, {transform_indices = #map1}, {transform_indices = #map}, {transform_indices = #map2}]} {
    %mul3A = arith.constant 16 : i32
    %mul3A_0 = arith.muli %arg0, %mul3A : i32
    %add3A = arith.addi %mul3A_0, %arg1 : i32
    %mul3A_1 = arith.constant 624 : i32
    %mul3A_2 = arith.muli %arg1, %mul3A_1 : i32
    "tpu.region"() ({
      %run_scoped3A = tpu.sem_alloc : memref<!tpu.dma_semaphore, #tpu.memory_space<semaphore_mem>>
      %dma_start3A_34 = arith.constant 0 : i32
      %dma_start3A_35 = tpu.memref_slice %arg6[%mul3A_2, %dma_start3A_34] : memref<10000x128xf32, #tpu.memory_space<vmem_shared>> -> memref<624x128xf32, #tpu.memory_space<vmem_shared>>
      tpu.enqueue_dma source(%arg4 : memref<624x128xf32, #tpu.memory_space<hbm>>) target(%dma_start3A_35 : memref<624x128xf32, #tpu.memory_space<vmem_shared>>) target_semaphore(%run_scoped3A : memref<!tpu.dma_semaphore, #tpu.memory_space<semaphore_mem>>)
      %dma_wait3A_36 = arith.constant 0 : i32
      %dma_wait3A_37 = tpu.memref_slice %arg6[%mul3A_2, %dma_wait3A_36] : memref<10000x128xf32, #tpu.memory_space<vmem_shared>> -> memref<624x128xf32, #tpu.memory_space<vmem_shared>>
      tpu.wait_dma2 semaphore(%run_scoped3A : memref<!tpu.dma_semaphore, #tpu.memory_space<semaphore_mem>>) src(%arg4 : memref<624x128xf32, #tpu.memory_space<hbm>>) dst(%dma_wait3A_37 : memref<624x128xf32, #tpu.memory_space<vmem_shared>>)
      tpu.yield
    }) : () -> ()
    %eq3A = arith.constant 15 : i32
    %eq3A_3 = arith.cmpi eq, %arg1, %eq3A : i32
    %convert_element_type3A = arith.extui %eq3A_3 : i1 to i32
    %cond3A = arith.constant 0 : i32
    %cond3A_4 = arith.cmpi ne, %convert_element_type3A, %cond3A : i32
    scf.if %cond3A_4 {
      "tpu.region"() ({
        %run_scoped3A = tpu.sem_alloc : memref<!tpu.dma_semaphore, #tpu.memory_space<semaphore_mem>>
        %dma_start3A_34 = arith.constant 9984 : i32
        %dma_start3A_35 = arith.constant 0 : i32
        %dma_start3A_36 = tpu.memref_slice %arg6[%dma_start3A_34, %dma_start3A_35] : memref<10000x128xf32, #tpu.memory_space<vmem_shared>> -> memref<16x128xf32, #tpu.memory_space<vmem_shared>>
        %dma_start3A_37 = arith.constant 0 : i32
        %dma_start3A_38 = arith.constant 0 : i32
        %dma_start3A_39 = tpu.memref_slice %arg4[%dma_start3A_37, %dma_start3A_38] : memref<624x128xf32, #tpu.memory_space<hbm>> -> memref<16x128xf32, #tpu.memory_space<hbm>>
        tpu.enqueue_dma source(%dma_start3A_39 : memref<16x128xf32, #tpu.memory_space<hbm>>) target(%dma_start3A_36 : memref<16x128xf32, #tpu.memory_space<vmem_shared>>) target_semaphore(%run_scoped3A : memref<!tpu.dma_semaphore, #tpu.memory_space<semaphore_mem>>)
        %dma_wait3A_40 = arith.constant 9984 : i32
        %dma_wait3A_41 = arith.constant 0 : i32
        %dma_wait3A_42 = tpu.memref_slice %arg6[%dma_wait3A_40, %dma_wait3A_41] : memref<10000x128xf32, #tpu.memory_space<vmem_shared>> -> memref<16x128xf32, #tpu.memory_space<vmem_shared>>
        %dma_wait3A_43 = arith.constant 0 : i32
        %dma_wait3A_44 = arith.constant 0 : i32
        %dma_wait3A_45 = tpu.memref_slice %arg4[%dma_wait3A_43, %dma_wait3A_44] : memref<624x128xf32, #tpu.memory_space<hbm>> -> memref<16x128xf32, #tpu.memory_space<hbm>>
        tpu.wait_dma2 semaphore(%run_scoped3A : memref<!tpu.dma_semaphore, #tpu.memory_space<semaphore_mem>>) src(%dma_wait3A_45 : memref<16x128xf32, #tpu.memory_space<hbm>>) dst(%dma_wait3A_42 : memref<16x128xf32, #tpu.memory_space<vmem_shared>>)
        tpu.yield
      }) : () -> ()
    } else {
    }
    %barrier3A = arith.constant 0 : index
    tpu.barrier barrier_id(%barrier3A)
    %mul3A_5 = arith.constant 10000 : i32
    %mul3A_6 = arith.muli %add3A, %mul3A_5 : i32
    %add3A_7 = arith.constant 0 : i32
    %add3A_8 = arith.addi %mul3A_6, %add3A_7 : i32
    "tpu.region"() ({
      %run_scoped3A = tpu.sem_alloc : memref<!tpu.dma_semaphore, #tpu.memory_space<semaphore_mem>>
      %dma_start3A_34 = tpu.memref_slice %arg3[%add3A_8] : memref<320000xi32, #tpu.memory_space<hbm>> -> memref<80xi32, #tpu.memory_space<hbm>>
      %dma_start3A_35 = tpu.memref_slice %arg3[%add3A_8] : memref<320000xi32, #tpu.memory_space<hbm>> -> memref<80xi32, #tpu.memory_space<hbm>>
      tpu.enqueue_dma source(%dma_start3A_35 : memref<80xi32, #tpu.memory_space<hbm>>) target(%arg7 : memref<80xi32, #tpu.memory_space<vmem>>) target_semaphore(%run_scoped3A : memref<!tpu.dma_semaphore, #tpu.memory_space<semaphore_mem>>)
      %dma_wait3A_36 = tpu.memref_slice %arg3[%add3A_8] : memref<320000xi32, #tpu.memory_space<hbm>> -> memref<80xi32, #tpu.memory_space<hbm>>
      %dma_wait3A_37 = tpu.memref_slice %arg3[%add3A_8] : memref<320000xi32, #tpu.memory_space<hbm>> -> memref<80xi32, #tpu.memory_space<hbm>>
      tpu.wait_dma2 semaphore(%run_scoped3A : memref<!tpu.dma_semaphore, #tpu.memory_space<semaphore_mem>>) src(%dma_wait3A_37 : memref<80xi32, #tpu.memory_space<hbm>>) dst(%arg7 : memref<80xi32, #tpu.memory_space<vmem>>)
      tpu.yield
    }) : () -> ()
    %dma_start3A = arith.constant 0 : i32
    %dma_start3A_9 = tpu.memref_slice %arg2[%add3A_8, %dma_start3A] : memref<320000x128xf32, #tpu.memory_space<hbm>> -> memref<80x128xf32, #tpu.memory_space<hbm>>
    %dma_start3A_10 = arith.constant 0 : i32
    %dma_start3A_11 = tpu.memref_slice %arg2[%add3A_8, %dma_start3A_10] : memref<320000x128xf32, #tpu.memory_space<hbm>> -> memref<80x128xf32, #tpu.memory_space<hbm>>
    tpu.enqueue_dma source(%dma_start3A_11 : memref<80x128xf32, #tpu.memory_space<hbm>>) target(%arg9 : memref<80x128xf32, #tpu.memory_space<vmem>>) target_semaphore(%arg11 : memref<!tpu.dma_semaphore, #tpu.memory_space<semaphore_mem>>)
    %scan3A = arith.constant 0 : i32
    %scan3A_12 = arith.constant 0 : i32
    %scan3A_13 = arith.constant 62 : i32
    %scan3A_14 = arith.addi %scan3A_12, %scan3A_13 : i32
    %scan3A_15 = arith.constant 1 : i32
    scf.for %scan3A_34 = %scan3A_12 to %scan3A_14 step %scan3A_15  : i32 {
      %mul3A_35 = arith.constant 2 : i32
      %mul3A_36 = arith.muli %mul3A_35, %scan3A_34 : i32
      %add3A_37 = arith.constant 1 : i32
      %add3A_38 = arith.addi %mul3A_36, %add3A_37 : i32
      %mul3A_39 = arith.constant 10000 : i32
      %mul3A_40 = arith.muli %add3A, %mul3A_39 : i32
      %mul3A_41 = arith.constant 80 : i32
      %mul3A_42 = arith.muli %add3A_38, %mul3A_41 : i32
      %add3A_43 = arith.addi %mul3A_40, %mul3A_42 : i32
      "tpu.region"() ({
        %run_scoped3A = tpu.sem_alloc : memref<!tpu.dma_semaphore, #tpu.memory_space<semaphore_mem>>
        %dma_start3A_79 = tpu.memref_slice %arg3[%add3A_43] : memref<320000xi32, #tpu.memory_space<hbm>> -> memref<80xi32, #tpu.memory_space<hbm>>
        %dma_start3A_80 = tpu.memref_slice %arg3[%add3A_43] : memref<320000xi32, #tpu.memory_space<hbm>> -> memref<80xi32, #tpu.memory_space<hbm>>
        tpu.enqueue_dma source(%dma_start3A_80 : memref<80xi32, #tpu.memory_space<hbm>>) target(%arg8 : memref<80xi32, #tpu.memory_space<vmem>>) target_semaphore(%run_scoped3A : memref<!tpu.dma_semaphore, #tpu.memory_space<semaphore_mem>>)
        %dma_wait3A_81 = tpu.memref_slice %arg3[%add3A_43] : memref<320000xi32, #tpu.memory_space<hbm>> -> memref<80xi32, #tpu.memory_space<hbm>>
        %dma_wait3A_82 = tpu.memref_slice %arg3[%add3A_43] : memref<320000xi32, #tpu.memory_space<hbm>> -> memref<80xi32, #tpu.memory_space<hbm>>
        tpu.wait_dma2 semaphore(%run_scoped3A : memref<!tpu.dma_semaphore, #tpu.memory_space<semaphore_mem>>) src(%dma_wait3A_82 : memref<80xi32, #tpu.memory_space<hbm>>) dst(%arg8 : memref<80xi32, #tpu.memory_space<vmem>>)
        tpu.yield
      }) : () -> ()
      %dma_start3A_44 = arith.constant 0 : i32
      %dma_start3A_45 = tpu.memref_slice %arg2[%add3A_43, %dma_start3A_44] : memref<320000x128xf32, #tpu.memory_space<hbm>> -> memref<80x128xf32, #tpu.memory_space<hbm>>
      %dma_start3A_46 = arith.constant 0 : i32
      %dma_start3A_47 = tpu.memref_slice %arg2[%add3A_43, %dma_start3A_46] : memref<320000x128xf32, #tpu.memory_space<hbm>> -> memref<80x128xf32, #tpu.memory_space<hbm>>
      tpu.enqueue_dma source(%dma_start3A_47 : memref<80x128xf32, #tpu.memory_space<hbm>>) target(%arg10 : memref<80x128xf32, #tpu.memory_space<vmem>>) target_semaphore(%arg12 : memref<!tpu.dma_semaphore, #tpu.memory_space<semaphore_mem>>)
      %mul3A_48 = arith.constant 10000 : i32
      %mul3A_49 = arith.muli %add3A, %mul3A_48 : i32
      %mul3A_50 = arith.constant 80 : i32
      %mul3A_51 = arith.muli %mul3A_36, %mul3A_50 : i32
      %add3A_52 = arith.addi %mul3A_49, %mul3A_51 : i32
      %dma_wait3A_53 = arith.constant 0 : i32
      %dma_wait3A_54 = tpu.memref_slice %arg2[%add3A_52, %dma_wait3A_53] : memref<320000x128xf32, #tpu.memory_space<hbm>> -> memref<80x128xf32, #tpu.memory_space<hbm>>
      %dma_wait3A_55 = arith.constant 0 : i32
      %dma_wait3A_56 = tpu.memref_slice %arg2[%add3A_52, %dma_wait3A_55] : memref<320000x128xf32, #tpu.memory_space<hbm>> -> memref<80x128xf32, #tpu.memory_space<hbm>>
      tpu.wait_dma2 semaphore(%arg11 : memref<!tpu.dma_semaphore, #tpu.memory_space<semaphore_mem>>) src(%dma_wait3A_56 : memref<80x128xf32, #tpu.memory_space<hbm>>) dst(%arg9 : memref<80x128xf32, #tpu.memory_space<vmem>>)
      "tpu.region"() ({
        %run_scoped3A = tpu.sem_alloc : memref<!tpu.dma_semaphore, #tpu.memory_space<semaphore_mem>>
        %dma_start3A_79 = arith.constant 0 : i32
        %dma_start3A_80 = arith.constant 0 : i32
        %dma_start3A_81 = tpu.memref_slice %arg6[%dma_start3A_79, %dma_start3A_80] : memref<10000x128xf32, #tpu.memory_space<vmem_shared>> -> memref<10000x128xf32, #tpu.memory_space<vmem_shared>>
        tpu.enqueue_indirect_dma source(%arg9 : memref<80x128xf32, #tpu.memory_space<vmem>>) target(%dma_start3A_81 : memref<10000x128xf32, #tpu.memory_space<vmem_shared>>) offsets(%arg7 : memref<80xi32, #tpu.memory_space<vmem>>) semaphore(%run_scoped3A : memref<!tpu.dma_semaphore, #tpu.memory_space<semaphore_mem>>) {add = true}
        %dma_wait3A_82 = arith.constant 0 : i32
        %dma_wait3A_83 = arith.constant 0 : i32
        %dma_wait3A_84 = tpu.memref_slice %arg6[%dma_wait3A_82, %dma_wait3A_83] : memref<10000x128xf32, #tpu.memory_space<vmem_shared>> -> memref<10000x128xf32, #tpu.memory_space<vmem_shared>>
        tpu.wait_indirect_dma semaphore(%run_scoped3A : memref<!tpu.dma_semaphore, #tpu.memory_space<semaphore_mem>>) src(%arg9 : memref<80x128xf32, #tpu.memory_space<vmem>>) dst(%dma_wait3A_84 : memref<10000x128xf32, #tpu.memory_space<vmem_shared>>)
        tpu.yield
      }) : () -> ()
      %add3A_57 = arith.constant 2 : i32
      %add3A_58 = arith.addi %mul3A_36, %add3A_57 : i32
      %mul3A_59 = arith.constant 10000 : i32
      %mul3A_60 = arith.muli %add3A, %mul3A_59 : i32
      %mul3A_61 = arith.constant 80 : i32
      %mul3A_62 = arith.muli %add3A_58, %mul3A_61 : i32
      %add3A_63 = arith.addi %mul3A_60, %mul3A_62 : i32
      "tpu.region"() ({
        %run_scoped3A = tpu.sem_alloc : memref<!tpu.dma_semaphore, #tpu.memory_space<semaphore_mem>>
        %dma_start3A_79 = tpu.memref_slice %arg3[%add3A_63] : memref<320000xi32, #tpu.memory_space<hbm>> -> memref<80xi32, #tpu.memory_space<hbm>>
        %dma_start3A_80 = tpu.memref_slice %arg3[%add3A_63] : memref<320000xi32, #tpu.memory_space<hbm>> -> memref<80xi32, #tpu.memory_space<hbm>>
        tpu.enqueue_dma source(%dma_start3A_80 : memref<80xi32, #tpu.memory_space<hbm>>) target(%arg7 : memref<80xi32, #tpu.memory_space<vmem>>) target_semaphore(%run_scoped3A : memref<!tpu.dma_semaphore, #tpu.memory_space<semaphore_mem>>)
        %dma_wait3A_81 = tpu.memref_slice %arg3[%add3A_63] : memref<320000xi32, #tpu.memory_space<hbm>> -> memref<80xi32, #tpu.memory_space<hbm>>
        %dma_wait3A_82 = tpu.memref_slice %arg3[%add3A_63] : memref<320000xi32, #tpu.memory_space<hbm>> -> memref<80xi32, #tpu.memory_space<hbm>>
        tpu.wait_dma2 semaphore(%run_scoped3A : memref<!tpu.dma_semaphore, #tpu.memory_space<semaphore_mem>>) src(%dma_wait3A_82 : memref<80xi32, #tpu.memory_space<hbm>>) dst(%arg7 : memref<80xi32, #tpu.memory_space<vmem>>)
        tpu.yield
      }) : () -> ()
      %dma_start3A_64 = arith.constant 0 : i32
      %dma_start3A_65 = tpu.memref_slice %arg2[%add3A_63, %dma_start3A_64] : memref<320000x128xf32, #tpu.memory_space<hbm>> -> memref<80x128xf32, #tpu.memory_space<hbm>>
      %dma_start3A_66 = arith.constant 0 : i32
      %dma_start3A_67 = tpu.memref_slice %arg2[%add3A_63, %dma_start3A_66] : memref<320000x128xf32, #tpu.memory_space<hbm>> -> memref<80x128xf32, #tpu.memory_space<hbm>>
      tpu.enqueue_dma source(%dma_start3A_67 : memref<80x128xf32, #tpu.memory_space<hbm>>) target(%arg9 : memref<80x128xf32, #tpu.memory_space<vmem>>) target_semaphore(%arg11 : memref<!tpu.dma_semaphore, #tpu.memory_space<semaphore_mem>>)
      %add3A_68 = arith.constant 1 : i32
      %add3A_69 = arith.addi %mul3A_36, %add3A_68 : i32
      %mul3A_70 = arith.constant 10000 : i32
      %mul3A_71 = arith.muli %add3A, %mul3A_70 : i32
      %mul3A_72 = arith.constant 80 : i32
      %mul3A_73 = arith.muli %add3A_69, %mul3A_72 : i32
      %add3A_74 = arith.addi %mul3A_71, %mul3A_73 : i32
      %dma_wait3A_75 = arith.constant 0 : i32
      %dma_wait3A_76 = tpu.memref_slice %arg2[%add3A_74, %dma_wait3A_75] : memref<320000x128xf32, #tpu.memory_space<hbm>> -> memref<80x128xf32, #tpu.memory_space<hbm>>
      %dma_wait3A_77 = arith.constant 0 : i32
      %dma_wait3A_78 = tpu.memref_slice %arg2[%add3A_74, %dma_wait3A_77] : memref<320000x128xf32, #tpu.memory_space<hbm>> -> memref<80x128xf32, #tpu.memory_space<hbm>>
      tpu.wait_dma2 semaphore(%arg12 : memref<!tpu.dma_semaphore, #tpu.memory_space<semaphore_mem>>) src(%dma_wait3A_78 : memref<80x128xf32, #tpu.memory_space<hbm>>) dst(%arg10 : memref<80x128xf32, #tpu.memory_space<vmem>>)
      "tpu.region"() ({
        %run_scoped3A = tpu.sem_alloc : memref<!tpu.dma_semaphore, #tpu.memory_space<semaphore_mem>>
        %dma_start3A_79 = arith.constant 0 : i32
        %dma_start3A_80 = arith.constant 0 : i32
        %dma_start3A_81 = tpu.memref_slice %arg6[%dma_start3A_79, %dma_start3A_80] : memref<10000x128xf32, #tpu.memory_space<vmem_shared>> -> memref<10000x128xf32, #tpu.memory_space<vmem_shared>>
        tpu.enqueue_indirect_dma source(%arg10 : memref<80x128xf32, #tpu.memory_space<vmem>>) target(%dma_start3A_81 : memref<10000x128xf32, #tpu.memory_space<vmem_shared>>) offsets(%arg8 : memref<80xi32, #tpu.memory_space<vmem>>) semaphore(%run_scoped3A : memref<!tpu.dma_semaphore, #tpu.memory_space<semaphore_mem>>) {add = true}
        %dma_wait3A_82 = arith.constant 0 : i32
        %dma_wait3A_83 = arith.constant 0 : i32
        %dma_wait3A_84 = tpu.memref_slice %arg6[%dma_wait3A_82, %dma_wait3A_83] : memref<10000x128xf32, #tpu.memory_space<vmem_shared>> -> memref<10000x128xf32, #tpu.memory_space<vmem_shared>>
        tpu.wait_indirect_dma semaphore(%run_scoped3A : memref<!tpu.dma_semaphore, #tpu.memory_space<semaphore_mem>>) src(%arg10 : memref<80x128xf32, #tpu.memory_space<vmem>>) dst(%dma_wait3A_84 : memref<10000x128xf32, #tpu.memory_space<vmem_shared>>)
        tpu.yield
      }) : () -> ()
    }
    %scan3A_16 = arith.constant 62 : i32
    %mul3A_17 = arith.constant 10000 : i32
    %mul3A_18 = arith.muli %add3A, %mul3A_17 : i32
    %add3A_19 = arith.constant 9920 : i32
    %add3A_20 = arith.addi %mul3A_18, %add3A_19 : i32
    %dma_wait3A = arith.constant 0 : i32
    %dma_wait3A_21 = tpu.memref_slice %arg2[%add3A_20, %dma_wait3A] : memref<320000x128xf32, #tpu.memory_space<hbm>> -> memref<80x128xf32, #tpu.memory_space<hbm>>
    %dma_wait3A_22 = arith.constant 0 : i32
    %dma_wait3A_23 = tpu.memref_slice %arg2[%add3A_20, %dma_wait3A_22] : memref<320000x128xf32, #tpu.memory_space<hbm>> -> memref<80x128xf32, #tpu.memory_space<hbm>>
    tpu.wait_dma2 semaphore(%arg11 : memref<!tpu.dma_semaphore, #tpu.memory_space<semaphore_mem>>) src(%dma_wait3A_23 : memref<80x128xf32, #tpu.memory_space<hbm>>) dst(%arg9 : memref<80x128xf32, #tpu.memory_space<vmem>>)
    "tpu.region"() ({
      %run_scoped3A = tpu.sem_alloc : memref<!tpu.dma_semaphore, #tpu.memory_space<semaphore_mem>>
      %dma_start3A_34 = arith.constant 0 : i32
      %dma_start3A_35 = arith.constant 0 : i32
      %dma_start3A_36 = tpu.memref_slice %arg6[%dma_start3A_34, %dma_start3A_35] : memref<10000x128xf32, #tpu.memory_space<vmem_shared>> -> memref<10000x128xf32, #tpu.memory_space<vmem_shared>>
      tpu.enqueue_indirect_dma source(%arg9 : memref<80x128xf32, #tpu.memory_space<vmem>>) target(%dma_start3A_36 : memref<10000x128xf32, #tpu.memory_space<vmem_shared>>) offsets(%arg7 : memref<80xi32, #tpu.memory_space<vmem>>) semaphore(%run_scoped3A : memref<!tpu.dma_semaphore, #tpu.memory_space<semaphore_mem>>) {add = true}
      %dma_wait3A_37 = arith.constant 0 : i32
      %dma_wait3A_38 = arith.constant 0 : i32
      %dma_wait3A_39 = tpu.memref_slice %arg6[%dma_wait3A_37, %dma_wait3A_38] : memref<10000x128xf32, #tpu.memory_space<vmem_shared>> -> memref<10000x128xf32, #tpu.memory_space<vmem_shared>>
      tpu.wait_indirect_dma semaphore(%run_scoped3A : memref<!tpu.dma_semaphore, #tpu.memory_space<semaphore_mem>>) src(%arg9 : memref<80x128xf32, #tpu.memory_space<vmem>>) dst(%dma_wait3A_39 : memref<10000x128xf32, #tpu.memory_space<vmem_shared>>)
      tpu.yield
    }) : () -> ()
    %barrier3A_24 = arith.constant 0 : index
    tpu.barrier barrier_id(%barrier3A_24)
    %mul3A_25 = arith.constant 624 : i32
    %mul3A_26 = arith.muli %arg1, %mul3A_25 : i32
    %mul3A_27 = arith.constant 624 : i32
    %mul3A_28 = arith.muli %arg1, %mul3A_27 : i32
    "tpu.region"() ({
      %run_scoped3A = tpu.sem_alloc : memref<!tpu.dma_semaphore, #tpu.memory_space<semaphore_mem>>
      %dma_start3A_34 = arith.constant 0 : i32
      %dma_start3A_35 = tpu.memref_slice %arg5[%arg0, %mul3A_28, %dma_start3A_34] : memref<2x10000x128xf32, #tpu.memory_space<hbm>> -> memref<1x624x128xf32, #tpu.memory_space<hbm>>
      %dma_start3A_36 = tpu.memref_squeeze %dma_start3A_35 : memref<1x624x128xf32, #tpu.memory_space<hbm>> -> memref<624x128xf32, #tpu.memory_space<hbm>>
      %dma_start3A_37 = arith.constant 0 : i32
      %dma_start3A_38 = tpu.memref_slice %arg6[%mul3A_26, %dma_start3A_37] : memref<10000x128xf32, #tpu.memory_space<vmem_shared>> -> memref<624x128xf32, #tpu.memory_space<vmem_shared>>
      tpu.enqueue_dma source(%dma_start3A_38 : memref<624x128xf32, #tpu.memory_space<vmem_shared>>) target(%dma_start3A_36 : memref<624x128xf32, #tpu.memory_space<hbm>>) target_semaphore(%run_scoped3A : memref<!tpu.dma_semaphore, #tpu.memory_space<semaphore_mem>>)
      %dma_wait3A_39 = arith.constant 0 : i32
      %dma_wait3A_40 = tpu.memref_slice %arg5[%arg0, %mul3A_28, %dma_wait3A_39] : memref<2x10000x128xf32, #tpu.memory_space<hbm>> -> memref<1x624x128xf32, #tpu.memory_space<hbm>>
      %dma_wait3A_41 = tpu.memref_squeeze %dma_wait3A_40 : memref<1x624x128xf32, #tpu.memory_space<hbm>> -> memref<624x128xf32, #tpu.memory_space<hbm>>
      %dma_wait3A_42 = arith.constant 0 : i32
      %dma_wait3A_43 = tpu.memref_slice %arg6[%mul3A_26, %dma_wait3A_42] : memref<10000x128xf32, #tpu.memory_space<vmem_shared>> -> memref<624x128xf32, #tpu.memory_space<vmem_shared>>
      tpu.wait_dma2 semaphore(%run_scoped3A : memref<!tpu.dma_semaphore, #tpu.memory_space<semaphore_mem>>) src(%dma_wait3A_43 : memref<624x128xf32, #tpu.memory_space<vmem_shared>>) dst(%dma_wait3A_41 : memref<624x128xf32, #tpu.memory_space<hbm>>)
      tpu.yield
    }) : () -> ()
    %eq3A_29 = arith.constant 15 : i32
    %eq3A_30 = arith.cmpi eq, %arg1, %eq3A_29 : i32
    %convert_element_type3A_31 = arith.extui %eq3A_30 : i1 to i32
    %cond3A_32 = arith.constant 0 : i32
    %cond3A_33 = arith.cmpi ne, %convert_element_type3A_31, %cond3A_32 : i32
    scf.if %cond3A_33 {
      "tpu.region"() ({
        %run_scoped3A = tpu.sem_alloc : memref<!tpu.dma_semaphore, #tpu.memory_space<semaphore_mem>>
        %dma_start3A_34 = arith.constant 9984 : i32
        %dma_start3A_35 = arith.constant 0 : i32
        %dma_start3A_36 = tpu.memref_slice %arg5[%arg0, %dma_start3A_34, %dma_start3A_35] : memref<2x10000x128xf32, #tpu.memory_space<hbm>> -> memref<1x16x128xf32, #tpu.memory_space<hbm>>
        %dma_start3A_37 = tpu.memref_squeeze %dma_start3A_36 : memref<1x16x128xf32, #tpu.memory_space<hbm>> -> memref<16x128xf32, #tpu.memory_space<hbm>>
        %dma_start3A_38 = arith.constant 9984 : i32
        %dma_start3A_39 = arith.constant 0 : i32
        %dma_start3A_40 = tpu.memref_slice %arg6[%dma_start3A_38, %dma_start3A_39] : memref<10000x128xf32, #tpu.memory_space<vmem_shared>> -> memref<16x128xf32, #tpu.memory_space<vmem_shared>>
        tpu.enqueue_dma source(%dma_start3A_40 : memref<16x128xf32, #tpu.memory_space<vmem_shared>>) target(%dma_start3A_37 : memref<16x128xf32, #tpu.memory_space<hbm>>) target_semaphore(%run_scoped3A : memref<!tpu.dma_semaphore, #tpu.memory_space<semaphore_mem>>)
        %dma_wait3A_41 = arith.constant 9984 : i32
        %dma_wait3A_42 = arith.constant 0 : i32
        %dma_wait3A_43 = tpu.memref_slice %arg5[%arg0, %dma_wait3A_41, %dma_wait3A_42] : memref<2x10000x128xf32, #tpu.memory_space<hbm>> -> memref<1x16x128xf32, #tpu.memory_space<hbm>>
        %dma_wait3A_44 = tpu.memref_squeeze %dma_wait3A_43 : memref<1x16x128xf32, #tpu.memory_space<hbm>> -> memref<16x128xf32, #tpu.memory_space<hbm>>
        %dma_wait3A_45 = arith.constant 9984 : i32
        %dma_wait3A_46 = arith.constant 0 : i32
        %dma_wait3A_47 = tpu.memref_slice %arg6[%dma_wait3A_45, %dma_wait3A_46] : memref<10000x128xf32, #tpu.memory_space<vmem_shared>> -> memref<16x128xf32, #tpu.memory_space<vmem_shared>>
        tpu.wait_dma2 semaphore(%run_scoped3A : memref<!tpu.dma_semaphore, #tpu.memory_space<semaphore_mem>>) src(%dma_wait3A_47 : memref<16x128xf32, #tpu.memory_space<vmem_shared>>) dst(%dma_wait3A_44 : memref<16x128xf32, #tpu.memory_space<hbm>>)
        tpu.yield
      }) : () -> ()
    } else {
    }
    return
  }
}

#map = affine_map<(d0, d1) -> (0, 0)>
#map1 = affine_map<(d0, d1) -> (0)>
#map2 = affine_map<(d0, d1) -> (0, 0, 0)>
module attributes {stable_mosaic.version = 14 : i64} {
  func.func @_sc_seg(%arg0: i32, %arg1: i32, %arg2: memref<10000x128xf32, #tpu.memory_space<hbm>>, %arg3: memref<320000xi32, #tpu.memory_space<hbm>>, %arg4: memref<320000xi32, #tpu.memory_space<hbm>>, %arg5: memref<624x128xf32, #tpu.memory_space<hbm>>, %arg6: memref<2x10000x128xf32, #tpu.memory_space<hbm>>, %arg7: memref<10000x128xf32, #tpu.memory_space<vmem_shared>>, %arg8: memref<80xi32, #tpu.memory_space<vmem>>, %arg9: memref<80xi32, #tpu.memory_space<vmem>>, %arg10: memref<80xi32, #tpu.memory_space<vmem>>, %arg11: memref<80xi32, #tpu.memory_space<vmem>>, %arg12: memref<80x128xf32, #tpu.memory_space<vmem>>, %arg13: memref<80x128xf32, #tpu.memory_space<vmem>>, %arg14: memref<!tpu.dma_semaphore, #tpu.memory_space<semaphore_mem>>, %arg15: memref<!tpu.dma_semaphore, #tpu.memory_space<semaphore_mem>>) attributes {dimension_semantics = [#tpu.dimension_semantics<core_parallel>, #tpu.dimension_semantics<subcore_parallel>], iteration_bounds = array<i64: 2, 16>, scalar_prefetch = 0 : i64, scratch_operands = 9 : i64, tpu.core_type = #tpu.core_type<sc_vector_subcore>, window_params = [{transform_indices = #map}, {transform_indices = #map1}, {transform_indices = #map1}, {transform_indices = #map}, {transform_indices = #map2}]} {
    %mul3A = arith.constant 16 : i32
    %mul3A_0 = arith.muli %arg0, %mul3A : i32
    %add3A = arith.addi %mul3A_0, %arg1 : i32
    %mul3A_1 = arith.constant 624 : i32
    %mul3A_2 = arith.muli %arg1, %mul3A_1 : i32
    "tpu.region"() ({
      %run_scoped3A = tpu.sem_alloc : memref<!tpu.dma_semaphore, #tpu.memory_space<semaphore_mem>>
      %dma_start3A_28 = arith.constant 0 : i32
      %dma_start3A_29 = tpu.memref_slice %arg7[%mul3A_2, %dma_start3A_28] : memref<10000x128xf32, #tpu.memory_space<vmem_shared>> -> memref<624x128xf32, #tpu.memory_space<vmem_shared>>
      tpu.enqueue_dma source(%arg5 : memref<624x128xf32, #tpu.memory_space<hbm>>) target(%dma_start3A_29 : memref<624x128xf32, #tpu.memory_space<vmem_shared>>) target_semaphore(%run_scoped3A : memref<!tpu.dma_semaphore, #tpu.memory_space<semaphore_mem>>)
      %dma_wait3A_30 = arith.constant 0 : i32
      %dma_wait3A_31 = tpu.memref_slice %arg7[%mul3A_2, %dma_wait3A_30] : memref<10000x128xf32, #tpu.memory_space<vmem_shared>> -> memref<624x128xf32, #tpu.memory_space<vmem_shared>>
      tpu.wait_dma2 semaphore(%run_scoped3A : memref<!tpu.dma_semaphore, #tpu.memory_space<semaphore_mem>>) src(%arg5 : memref<624x128xf32, #tpu.memory_space<hbm>>) dst(%dma_wait3A_31 : memref<624x128xf32, #tpu.memory_space<vmem_shared>>)
      tpu.yield
    }) : () -> ()
    %eq3A = arith.constant 15 : i32
    %eq3A_3 = arith.cmpi eq, %arg1, %eq3A : i32
    %convert_element_type3A = arith.extui %eq3A_3 : i1 to i32
    %cond3A = arith.constant 0 : i32
    %cond3A_4 = arith.cmpi ne, %convert_element_type3A, %cond3A : i32
    scf.if %cond3A_4 {
      "tpu.region"() ({
        %run_scoped3A = tpu.sem_alloc : memref<!tpu.dma_semaphore, #tpu.memory_space<semaphore_mem>>
        %dma_start3A_28 = arith.constant 9984 : i32
        %dma_start3A_29 = arith.constant 0 : i32
        %dma_start3A_30 = tpu.memref_slice %arg7[%dma_start3A_28, %dma_start3A_29] : memref<10000x128xf32, #tpu.memory_space<vmem_shared>> -> memref<16x128xf32, #tpu.memory_space<vmem_shared>>
        %dma_start3A_31 = arith.constant 0 : i32
        %dma_start3A_32 = arith.constant 0 : i32
        %dma_start3A_33 = tpu.memref_slice %arg5[%dma_start3A_31, %dma_start3A_32] : memref<624x128xf32, #tpu.memory_space<hbm>> -> memref<16x128xf32, #tpu.memory_space<hbm>>
        tpu.enqueue_dma source(%dma_start3A_33 : memref<16x128xf32, #tpu.memory_space<hbm>>) target(%dma_start3A_30 : memref<16x128xf32, #tpu.memory_space<vmem_shared>>) target_semaphore(%run_scoped3A : memref<!tpu.dma_semaphore, #tpu.memory_space<semaphore_mem>>)
        %dma_wait3A_34 = arith.constant 9984 : i32
        %dma_wait3A_35 = arith.constant 0 : i32
        %dma_wait3A_36 = tpu.memref_slice %arg7[%dma_wait3A_34, %dma_wait3A_35] : memref<10000x128xf32, #tpu.memory_space<vmem_shared>> -> memref<16x128xf32, #tpu.memory_space<vmem_shared>>
        %dma_wait3A_37 = arith.constant 0 : i32
        %dma_wait3A_38 = arith.constant 0 : i32
        %dma_wait3A_39 = tpu.memref_slice %arg5[%dma_wait3A_37, %dma_wait3A_38] : memref<624x128xf32, #tpu.memory_space<hbm>> -> memref<16x128xf32, #tpu.memory_space<hbm>>
        tpu.wait_dma2 semaphore(%run_scoped3A : memref<!tpu.dma_semaphore, #tpu.memory_space<semaphore_mem>>) src(%dma_wait3A_39 : memref<16x128xf32, #tpu.memory_space<hbm>>) dst(%dma_wait3A_36 : memref<16x128xf32, #tpu.memory_space<vmem_shared>>)
        tpu.yield
      }) : () -> ()
    } else {
    }
    %barrier3A = arith.constant 0 : index
    tpu.barrier barrier_id(%barrier3A)
    %mul3A_5 = arith.constant 10000 : i32
    %mul3A_6 = arith.muli %add3A, %mul3A_5 : i32
    %add3A_7 = arith.constant 0 : i32
    %add3A_8 = arith.addi %mul3A_6, %add3A_7 : i32
    "tpu.region"() ({
      %run_scoped3A = tpu.sem_alloc : memref<!tpu.dma_semaphore, #tpu.memory_space<semaphore_mem>>
      %dma_start3A_28 = tpu.memref_slice %arg3[%add3A_8] : memref<320000xi32, #tpu.memory_space<hbm>> -> memref<80xi32, #tpu.memory_space<hbm>>
      %dma_start3A_29 = tpu.memref_slice %arg3[%add3A_8] : memref<320000xi32, #tpu.memory_space<hbm>> -> memref<80xi32, #tpu.memory_space<hbm>>
      tpu.enqueue_dma source(%dma_start3A_29 : memref<80xi32, #tpu.memory_space<hbm>>) target(%arg8 : memref<80xi32, #tpu.memory_space<vmem>>) target_semaphore(%run_scoped3A : memref<!tpu.dma_semaphore, #tpu.memory_space<semaphore_mem>>)
      %dma_wait3A_30 = tpu.memref_slice %arg3[%add3A_8] : memref<320000xi32, #tpu.memory_space<hbm>> -> memref<80xi32, #tpu.memory_space<hbm>>
      %dma_wait3A_31 = tpu.memref_slice %arg3[%add3A_8] : memref<320000xi32, #tpu.memory_space<hbm>> -> memref<80xi32, #tpu.memory_space<hbm>>
      tpu.wait_dma2 semaphore(%run_scoped3A : memref<!tpu.dma_semaphore, #tpu.memory_space<semaphore_mem>>) src(%dma_wait3A_31 : memref<80xi32, #tpu.memory_space<hbm>>) dst(%arg8 : memref<80xi32, #tpu.memory_space<vmem>>)
      tpu.yield
    }) : () -> ()
    "tpu.region"() ({
      %run_scoped3A = tpu.sem_alloc : memref<!tpu.dma_semaphore, #tpu.memory_space<semaphore_mem>>
      %dma_start3A_28 = tpu.memref_slice %arg4[%add3A_8] : memref<320000xi32, #tpu.memory_space<hbm>> -> memref<80xi32, #tpu.memory_space<hbm>>
      %dma_start3A_29 = tpu.memref_slice %arg4[%add3A_8] : memref<320000xi32, #tpu.memory_space<hbm>> -> memref<80xi32, #tpu.memory_space<hbm>>
      tpu.enqueue_dma source(%dma_start3A_29 : memref<80xi32, #tpu.memory_space<hbm>>) target(%arg9 : memref<80xi32, #tpu.memory_space<vmem>>) target_semaphore(%run_scoped3A : memref<!tpu.dma_semaphore, #tpu.memory_space<semaphore_mem>>)
      %dma_wait3A_30 = tpu.memref_slice %arg4[%add3A_8] : memref<320000xi32, #tpu.memory_space<hbm>> -> memref<80xi32, #tpu.memory_space<hbm>>
      %dma_wait3A_31 = tpu.memref_slice %arg4[%add3A_8] : memref<320000xi32, #tpu.memory_space<hbm>> -> memref<80xi32, #tpu.memory_space<hbm>>
      tpu.wait_dma2 semaphore(%run_scoped3A : memref<!tpu.dma_semaphore, #tpu.memory_space<semaphore_mem>>) src(%dma_wait3A_31 : memref<80xi32, #tpu.memory_space<hbm>>) dst(%arg9 : memref<80xi32, #tpu.memory_space<vmem>>)
      tpu.yield
    }) : () -> ()
    %dma_start3A = arith.constant 0 : i32
    %dma_start3A_9 = arith.constant 0 : i32
    %dma_start3A_10 = tpu.memref_slice %arg2[%dma_start3A, %dma_start3A_9] : memref<10000x128xf32, #tpu.memory_space<hbm>> -> memref<10000x128xf32, #tpu.memory_space<hbm>>
    tpu.enqueue_indirect_dma source(%dma_start3A_10 : memref<10000x128xf32, #tpu.memory_space<hbm>>) target(%arg12 : memref<80x128xf32, #tpu.memory_space<vmem>>) offsets(%arg8 : memref<80xi32, #tpu.memory_space<vmem>>) semaphore(%arg14 : memref<!tpu.dma_semaphore, #tpu.memory_space<semaphore_mem>>)
    %scan3A = arith.constant 0 : i32
    %scan3A_11 = arith.constant 0 : i32
    %scan3A_12 = arith.constant 62 : i32
    %scan3A_13 = arith.addi %scan3A_11, %scan3A_12 : i32
    %scan3A_14 = arith.constant 1 : i32
    scf.for %scan3A_28 = %scan3A_11 to %scan3A_13 step %scan3A_14  : i32 {
      %mul3A_29 = arith.constant 2 : i32
      %mul3A_30 = arith.muli %mul3A_29, %scan3A_28 : i32
      %add3A_31 = arith.constant 1 : i32
      %add3A_32 = arith.addi %mul3A_30, %add3A_31 : i32
      %mul3A_33 = arith.constant 10000 : i32
      %mul3A_34 = arith.muli %add3A, %mul3A_33 : i32
      %mul3A_35 = arith.constant 80 : i32
      %mul3A_36 = arith.muli %add3A_32, %mul3A_35 : i32
      %add3A_37 = arith.addi %mul3A_34, %mul3A_36 : i32
      "tpu.region"() ({
        %run_scoped3A = tpu.sem_alloc : memref<!tpu.dma_semaphore, #tpu.memory_space<semaphore_mem>>
        %dma_start3A_57 = tpu.memref_slice %arg3[%add3A_37] : memref<320000xi32, #tpu.memory_space<hbm>> -> memref<80xi32, #tpu.memory_space<hbm>>
        %dma_start3A_58 = tpu.memref_slice %arg3[%add3A_37] : memref<320000xi32, #tpu.memory_space<hbm>> -> memref<80xi32, #tpu.memory_space<hbm>>
        tpu.enqueue_dma source(%dma_start3A_58 : memref<80xi32, #tpu.memory_space<hbm>>) target(%arg10 : memref<80xi32, #tpu.memory_space<vmem>>) target_semaphore(%run_scoped3A : memref<!tpu.dma_semaphore, #tpu.memory_space<semaphore_mem>>)
        %dma_wait3A_59 = tpu.memref_slice %arg3[%add3A_37] : memref<320000xi32, #tpu.memory_space<hbm>> -> memref<80xi32, #tpu.memory_space<hbm>>
        %dma_wait3A_60 = tpu.memref_slice %arg3[%add3A_37] : memref<320000xi32, #tpu.memory_space<hbm>> -> memref<80xi32, #tpu.memory_space<hbm>>
        tpu.wait_dma2 semaphore(%run_scoped3A : memref<!tpu.dma_semaphore, #tpu.memory_space<semaphore_mem>>) src(%dma_wait3A_60 : memref<80xi32, #tpu.memory_space<hbm>>) dst(%arg10 : memref<80xi32, #tpu.memory_space<vmem>>)
        tpu.yield
      }) : () -> ()
      "tpu.region"() ({
        %run_scoped3A = tpu.sem_alloc : memref<!tpu.dma_semaphore, #tpu.memory_space<semaphore_mem>>
        %dma_start3A_57 = tpu.memref_slice %arg4[%add3A_37] : memref<320000xi32, #tpu.memory_space<hbm>> -> memref<80xi32, #tpu.memory_space<hbm>>
        %dma_start3A_58 = tpu.memref_slice %arg4[%add3A_37] : memref<320000xi32, #tpu.memory_space<hbm>> -> memref<80xi32, #tpu.memory_space<hbm>>
        tpu.enqueue_dma source(%dma_start3A_58 : memref<80xi32, #tpu.memory_space<hbm>>) target(%arg11 : memref<80xi32, #tpu.memory_space<vmem>>) target_semaphore(%run_scoped3A : memref<!tpu.dma_semaphore, #tpu.memory_space<semaphore_mem>>)
        %dma_wait3A_59 = tpu.memref_slice %arg4[%add3A_37] : memref<320000xi32, #tpu.memory_space<hbm>> -> memref<80xi32, #tpu.memory_space<hbm>>
        %dma_wait3A_60 = tpu.memref_slice %arg4[%add3A_37] : memref<320000xi32, #tpu.memory_space<hbm>> -> memref<80xi32, #tpu.memory_space<hbm>>
        tpu.wait_dma2 semaphore(%run_scoped3A : memref<!tpu.dma_semaphore, #tpu.memory_space<semaphore_mem>>) src(%dma_wait3A_60 : memref<80xi32, #tpu.memory_space<hbm>>) dst(%arg11 : memref<80xi32, #tpu.memory_space<vmem>>)
        tpu.yield
      }) : () -> ()
      %dma_wait3A_38 = arith.constant 0 : i32
      %dma_wait3A_39 = arith.constant 0 : i32
      %dma_wait3A_40 = tpu.memref_slice %arg2[%dma_wait3A_38, %dma_wait3A_39] : memref<10000x128xf32, #tpu.memory_space<hbm>> -> memref<10000x128xf32, #tpu.memory_space<hbm>>
      tpu.wait_indirect_dma semaphore(%arg14 : memref<!tpu.dma_semaphore, #tpu.memory_space<semaphore_mem>>) src(%dma_wait3A_40 : memref<10000x128xf32, #tpu.memory_space<hbm>>) dst(%arg12 : memref<80x128xf32, #tpu.memory_space<vmem>>)
      %dma_start3A_41 = arith.constant 0 : i32
      %dma_start3A_42 = arith.constant 0 : i32
      %dma_start3A_43 = tpu.memref_slice %arg2[%dma_start3A_41, %dma_start3A_42] : memref<10000x128xf32, #tpu.memory_space<hbm>> -> memref<10000x128xf32, #tpu.memory_space<hbm>>
      tpu.enqueue_indirect_dma source(%dma_start3A_43 : memref<10000x128xf32, #tpu.memory_space<hbm>>) target(%arg13 : memref<80x128xf32, #tpu.memory_space<vmem>>) offsets(%arg10 : memref<80xi32, #tpu.memory_space<vmem>>) semaphore(%arg15 : memref<!tpu.dma_semaphore, #tpu.memory_space<semaphore_mem>>)
      "tpu.region"() ({
        %run_scoped3A = tpu.sem_alloc : memref<!tpu.dma_semaphore, #tpu.memory_space<semaphore_mem>>
        %dma_start3A_57 = arith.constant 0 : i32
        %dma_start3A_58 = arith.constant 0 : i32
        %dma_start3A_59 = tpu.memref_slice %arg7[%dma_start3A_57, %dma_start3A_58] : memref<10000x128xf32, #tpu.memory_space<vmem_shared>> -> memref<10000x128xf32, #tpu.memory_space<vmem_shared>>
        tpu.enqueue_indirect_dma source(%arg12 : memref<80x128xf32, #tpu.memory_space<vmem>>) target(%dma_start3A_59 : memref<10000x128xf32, #tpu.memory_space<vmem_shared>>) offsets(%arg9 : memref<80xi32, #tpu.memory_space<vmem>>) semaphore(%run_scoped3A : memref<!tpu.dma_semaphore, #tpu.memory_space<semaphore_mem>>) {add = true}
        %dma_wait3A_60 = arith.constant 0 : i32
        %dma_wait3A_61 = arith.constant 0 : i32
        %dma_wait3A_62 = tpu.memref_slice %arg7[%dma_wait3A_60, %dma_wait3A_61] : memref<10000x128xf32, #tpu.memory_space<vmem_shared>> -> memref<10000x128xf32, #tpu.memory_space<vmem_shared>>
        tpu.wait_indirect_dma semaphore(%run_scoped3A : memref<!tpu.dma_semaphore, #tpu.memory_space<semaphore_mem>>) src(%arg12 : memref<80x128xf32, #tpu.memory_space<vmem>>) dst(%dma_wait3A_62 : memref<10000x128xf32, #tpu.memory_space<vmem_shared>>)
        tpu.yield
      }) : () -> ()
      %add3A_44 = arith.constant 2 : i32
      %add3A_45 = arith.addi %mul3A_30, %add3A_44 : i32
      %mul3A_46 = arith.constant 10000 : i32
      %mul3A_47 = arith.muli %add3A, %mul3A_46 : i32
      %mul3A_48 = arith.constant 80 : i32
      %mul3A_49 = arith.muli %add3A_45, %mul3A_48 : i32
      %add3A_50 = arith.addi %mul3A_47, %mul3A_49 : i32
      "tpu.region"() ({
        %run_scoped3A = tpu.sem_alloc : memref<!tpu.dma_semaphore, #tpu.memory_space<semaphore_mem>>
        %dma_start3A_57 = tpu.memref_slice %arg3[%add3A_50] : memref<320000xi32, #tpu.memory_space<hbm>> -> memref<80xi32, #tpu.memory_space<hbm>>
        %dma_start3A_58 = tpu.memref_slice %arg3[%add3A_50] : memref<320000xi32, #tpu.memory_space<hbm>> -> memref<80xi32, #tpu.memory_space<hbm>>
        tpu.enqueue_dma source(%dma_start3A_58 : memref<80xi32, #tpu.memory_space<hbm>>) target(%arg8 : memref<80xi32, #tpu.memory_space<vmem>>) target_semaphore(%run_scoped3A : memref<!tpu.dma_semaphore, #tpu.memory_space<semaphore_mem>>)
        %dma_wait3A_59 = tpu.memref_slice %arg3[%add3A_50] : memref<320000xi32, #tpu.memory_space<hbm>> -> memref<80xi32, #tpu.memory_space<hbm>>
        %dma_wait3A_60 = tpu.memref_slice %arg3[%add3A_50] : memref<320000xi32, #tpu.memory_space<hbm>> -> memref<80xi32, #tpu.memory_space<hbm>>
        tpu.wait_dma2 semaphore(%run_scoped3A : memref<!tpu.dma_semaphore, #tpu.memory_space<semaphore_mem>>) src(%dma_wait3A_60 : memref<80xi32, #tpu.memory_space<hbm>>) dst(%arg8 : memref<80xi32, #tpu.memory_space<vmem>>)
        tpu.yield
      }) : () -> ()
      "tpu.region"() ({
        %run_scoped3A = tpu.sem_alloc : memref<!tpu.dma_semaphore, #tpu.memory_space<semaphore_mem>>
        %dma_start3A_57 = tpu.memref_slice %arg4[%add3A_50] : memref<320000xi32, #tpu.memory_space<hbm>> -> memref<80xi32, #tpu.memory_space<hbm>>
        %dma_start3A_58 = tpu.memref_slice %arg4[%add3A_50] : memref<320000xi32, #tpu.memory_space<hbm>> -> memref<80xi32, #tpu.memory_space<hbm>>
        tpu.enqueue_dma source(%dma_start3A_58 : memref<80xi32, #tpu.memory_space<hbm>>) target(%arg9 : memref<80xi32, #tpu.memory_space<vmem>>) target_semaphore(%run_scoped3A : memref<!tpu.dma_semaphore, #tpu.memory_space<semaphore_mem>>)
        %dma_wait3A_59 = tpu.memref_slice %arg4[%add3A_50] : memref<320000xi32, #tpu.memory_space<hbm>> -> memref<80xi32, #tpu.memory_space<hbm>>
        %dma_wait3A_60 = tpu.memref_slice %arg4[%add3A_50] : memref<320000xi32, #tpu.memory_space<hbm>> -> memref<80xi32, #tpu.memory_space<hbm>>
        tpu.wait_dma2 semaphore(%run_scoped3A : memref<!tpu.dma_semaphore, #tpu.memory_space<semaphore_mem>>) src(%dma_wait3A_60 : memref<80xi32, #tpu.memory_space<hbm>>) dst(%arg9 : memref<80xi32, #tpu.memory_space<vmem>>)
        tpu.yield
      }) : () -> ()
      %dma_wait3A_51 = arith.constant 0 : i32
      %dma_wait3A_52 = arith.constant 0 : i32
      %dma_wait3A_53 = tpu.memref_slice %arg2[%dma_wait3A_51, %dma_wait3A_52] : memref<10000x128xf32, #tpu.memory_space<hbm>> -> memref<10000x128xf32, #tpu.memory_space<hbm>>
      tpu.wait_indirect_dma semaphore(%arg15 : memref<!tpu.dma_semaphore, #tpu.memory_space<semaphore_mem>>) src(%dma_wait3A_53 : memref<10000x128xf32, #tpu.memory_space<hbm>>) dst(%arg13 : memref<80x128xf32, #tpu.memory_space<vmem>>)
      %dma_start3A_54 = arith.constant 0 : i32
      %dma_start3A_55 = arith.constant 0 : i32
      %dma_start3A_56 = tpu.memref_slice %arg2[%dma_start3A_54, %dma_start3A_55] : memref<10000x128xf32, #tpu.memory_space<hbm>> -> memref<10000x128xf32, #tpu.memory_space<hbm>>
      tpu.enqueue_indirect_dma source(%dma_start3A_56 : memref<10000x128xf32, #tpu.memory_space<hbm>>) target(%arg12 : memref<80x128xf32, #tpu.memory_space<vmem>>) offsets(%arg8 : memref<80xi32, #tpu.memory_space<vmem>>) semaphore(%arg14 : memref<!tpu.dma_semaphore, #tpu.memory_space<semaphore_mem>>)
      "tpu.region"() ({
        %run_scoped3A = tpu.sem_alloc : memref<!tpu.dma_semaphore, #tpu.memory_space<semaphore_mem>>
        %dma_start3A_57 = arith.constant 0 : i32
        %dma_start3A_58 = arith.constant 0 : i32
        %dma_start3A_59 = tpu.memref_slice %arg7[%dma_start3A_57, %dma_start3A_58] : memref<10000x128xf32, #tpu.memory_space<vmem_shared>> -> memref<10000x128xf32, #tpu.memory_space<vmem_shared>>
        tpu.enqueue_indirect_dma source(%arg13 : memref<80x128xf32, #tpu.memory_space<vmem>>) target(%dma_start3A_59 : memref<10000x128xf32, #tpu.memory_space<vmem_shared>>) offsets(%arg11 : memref<80xi32, #tpu.memory_space<vmem>>) semaphore(%run_scoped3A : memref<!tpu.dma_semaphore, #tpu.memory_space<semaphore_mem>>) {add = true}
        %dma_wait3A_60 = arith.constant 0 : i32
        %dma_wait3A_61 = arith.constant 0 : i32
        %dma_wait3A_62 = tpu.memref_slice %arg7[%dma_wait3A_60, %dma_wait3A_61] : memref<10000x128xf32, #tpu.memory_space<vmem_shared>> -> memref<10000x128xf32, #tpu.memory_space<vmem_shared>>
        tpu.wait_indirect_dma semaphore(%run_scoped3A : memref<!tpu.dma_semaphore, #tpu.memory_space<semaphore_mem>>) src(%arg13 : memref<80x128xf32, #tpu.memory_space<vmem>>) dst(%dma_wait3A_62 : memref<10000x128xf32, #tpu.memory_space<vmem_shared>>)
        tpu.yield
      }) : () -> ()
    }
    %scan3A_15 = arith.constant 62 : i32
    %dma_wait3A = arith.constant 0 : i32
    %dma_wait3A_16 = arith.constant 0 : i32
    %dma_wait3A_17 = tpu.memref_slice %arg2[%dma_wait3A, %dma_wait3A_16] : memref<10000x128xf32, #tpu.memory_space<hbm>> -> memref<10000x128xf32, #tpu.memory_space<hbm>>
    tpu.wait_indirect_dma semaphore(%arg14 : memref<!tpu.dma_semaphore, #tpu.memory_space<semaphore_mem>>) src(%dma_wait3A_17 : memref<10000x128xf32, #tpu.memory_space<hbm>>) dst(%arg12 : memref<80x128xf32, #tpu.memory_space<vmem>>)
    "tpu.region"() ({
      %run_scoped3A = tpu.sem_alloc : memref<!tpu.dma_semaphore, #tpu.memory_space<semaphore_mem>>
      %dma_start3A_28 = arith.constant 0 : i32
      %dma_start3A_29 = arith.constant 0 : i32
      %dma_start3A_30 = tpu.memref_slice %arg7[%dma_start3A_28, %dma_start3A_29] : memref<10000x128xf32, #tpu.memory_space<vmem_shared>> -> memref<10000x128xf32, #tpu.memory_space<vmem_shared>>
      tpu.enqueue_indirect_dma source(%arg12 : memref<80x128xf32, #tpu.memory_space<vmem>>) target(%dma_start3A_30 : memref<10000x128xf32, #tpu.memory_space<vmem_shared>>) offsets(%arg9 : memref<80xi32, #tpu.memory_space<vmem>>) semaphore(%run_scoped3A : memref<!tpu.dma_semaphore, #tpu.memory_space<semaphore_mem>>) {add = true}
      %dma_wait3A_31 = arith.constant 0 : i32
      %dma_wait3A_32 = arith.constant 0 : i32
      %dma_wait3A_33 = tpu.memref_slice %arg7[%dma_wait3A_31, %dma_wait3A_32] : memref<10000x128xf32, #tpu.memory_space<vmem_shared>> -> memref<10000x128xf32, #tpu.memory_space<vmem_shared>>
      tpu.wait_indirect_dma semaphore(%run_scoped3A : memref<!tpu.dma_semaphore, #tpu.memory_space<semaphore_mem>>) src(%arg12 : memref<80x128xf32, #tpu.memory_space<vmem>>) dst(%dma_wait3A_33 : memref<10000x128xf32, #tpu.memory_space<vmem_shared>>)
      tpu.yield
    }) : () -> ()
    %barrier3A_18 = arith.constant 0 : index
    tpu.barrier barrier_id(%barrier3A_18)
    %mul3A_19 = arith.constant 624 : i32
    %mul3A_20 = arith.muli %arg1, %mul3A_19 : i32
    %mul3A_21 = arith.constant 624 : i32
    %mul3A_22 = arith.muli %arg1, %mul3A_21 : i32
    "tpu.region"() ({
      %run_scoped3A = tpu.sem_alloc : memref<!tpu.dma_semaphore, #tpu.memory_space<semaphore_mem>>
      %dma_start3A_28 = arith.constant 0 : i32
      %dma_start3A_29 = tpu.memref_slice %arg6[%arg0, %mul3A_22, %dma_start3A_28] : memref<2x10000x128xf32, #tpu.memory_space<hbm>> -> memref<1x624x128xf32, #tpu.memory_space<hbm>>
      %dma_start3A_30 = tpu.memref_squeeze %dma_start3A_29 : memref<1x624x128xf32, #tpu.memory_space<hbm>> -> memref<624x128xf32, #tpu.memory_space<hbm>>
      %dma_start3A_31 = arith.constant 0 : i32
      %dma_start3A_32 = tpu.memref_slice %arg7[%mul3A_20, %dma_start3A_31] : memref<10000x128xf32, #tpu.memory_space<vmem_shared>> -> memref<624x128xf32, #tpu.memory_space<vmem_shared>>
      tpu.enqueue_dma source(%dma_start3A_32 : memref<624x128xf32, #tpu.memory_space<vmem_shared>>) target(%dma_start3A_30 : memref<624x128xf32, #tpu.memory_space<hbm>>) target_semaphore(%run_scoped3A : memref<!tpu.dma_semaphore, #tpu.memory_space<semaphore_mem>>)
      %dma_wait3A_33 = arith.constant 0 : i32
      %dma_wait3A_34 = tpu.memref_slice %arg6[%arg0, %mul3A_22, %dma_wait3A_33] : memref<2x10000x128xf32, #tpu.memory_space<hbm>> -> memref<1x624x128xf32, #tpu.memory_space<hbm>>
      %dma_wait3A_35 = tpu.memref_squeeze %dma_wait3A_34 : memref<1x624x128xf32, #tpu.memory_space<hbm>> -> memref<624x128xf32, #tpu.memory_space<hbm>>
      %dma_wait3A_36 = arith.constant 0 : i32
      %dma_wait3A_37 = tpu.memref_slice %arg7[%mul3A_20, %dma_wait3A_36] : memref<10000x128xf32, #tpu.memory_space<vmem_shared>> -> memref<624x128xf32, #tpu.memory_space<vmem_shared>>
      tpu.wait_dma2 semaphore(%run_scoped3A : memref<!tpu.dma_semaphore, #tpu.memory_space<semaphore_mem>>) src(%dma_wait3A_37 : memref<624x128xf32, #tpu.memory_space<vmem_shared>>) dst(%dma_wait3A_35 : memref<624x128xf32, #tpu.memory_space<hbm>>)
      tpu.yield
    }) : () -> ()
    %eq3A_23 = arith.constant 15 : i32
    %eq3A_24 = arith.cmpi eq, %arg1, %eq3A_23 : i32
    %convert_element_type3A_25 = arith.extui %eq3A_24 : i1 to i32
    %cond3A_26 = arith.constant 0 : i32
    %cond3A_27 = arith.cmpi ne, %convert_element_type3A_25, %cond3A_26 : i32
    scf.if %cond3A_27 {
      "tpu.region"() ({
        %run_scoped3A = tpu.sem_alloc : memref<!tpu.dma_semaphore, #tpu.memory_space<semaphore_mem>>
        %dma_start3A_28 = arith.constant 9984 : i32
        %dma_start3A_29 = arith.constant 0 : i32
        %dma_start3A_30 = tpu.memref_slice %arg6[%arg0, %dma_start3A_28, %dma_start3A_29] : memref<2x10000x128xf32, #tpu.memory_space<hbm>> -> memref<1x16x128xf32, #tpu.memory_space<hbm>>
        %dma_start3A_31 = tpu.memref_squeeze %dma_start3A_30 : memref<1x16x128xf32, #tpu.memory_space<hbm>> -> memref<16x128xf32, #tpu.memory_space<hbm>>
        %dma_start3A_32 = arith.constant 9984 : i32
        %dma_start3A_33 = arith.constant 0 : i32
        %dma_start3A_34 = tpu.memref_slice %arg7[%dma_start3A_32, %dma_start3A_33] : memref<10000x128xf32, #tpu.memory_space<vmem_shared>> -> memref<16x128xf32, #tpu.memory_space<vmem_shared>>
        tpu.enqueue_dma source(%dma_start3A_34 : memref<16x128xf32, #tpu.memory_space<vmem_shared>>) target(%dma_start3A_31 : memref<16x128xf32, #tpu.memory_space<hbm>>) target_semaphore(%run_scoped3A : memref<!tpu.dma_semaphore, #tpu.memory_space<semaphore_mem>>)
        %dma_wait3A_35 = arith.constant 9984 : i32
        %dma_wait3A_36 = arith.constant 0 : i32
        %dma_wait3A_37 = tpu.memref_slice %arg6[%arg0, %dma_wait3A_35, %dma_wait3A_36] : memref<2x10000x128xf32, #tpu.memory_space<hbm>> -> memref<1x16x128xf32, #tpu.memory_space<hbm>>
        %dma_wait3A_38 = tpu.memref_squeeze %dma_wait3A_37 : memref<1x16x128xf32, #tpu.memory_space<hbm>> -> memref<16x128xf32, #tpu.memory_space<hbm>>
        %dma_wait3A_39 = arith.constant 9984 : i32
        %dma_wait3A_40 = arith.constant 0 : i32
        %dma_wait3A_41 = tpu.memref_slice %arg7[%dma_wait3A_39, %dma_wait3A_40] : memref<10000x128xf32, #tpu.memory_space<vmem_shared>> -> memref<16x128xf32, #tpu.memory_space<vmem_shared>>
        tpu.wait_dma2 semaphore(%run_scoped3A : memref<!tpu.dma_semaphore, #tpu.memory_space<semaphore_mem>>) src(%dma_wait3A_41 : memref<16x128xf32, #tpu.memory_space<vmem_shared>>) dst(%dma_wait3A_38 : memref<16x128xf32, #tpu.memory_space<hbm>>)
        tpu.yield
      }) : () -> ()
    } else {
    }
    return
  }
}

#map = affine_map<(d0, d1) -> (0, 0)>
#map1 = affine_map<(d0, d1) -> (0)>
#map2 = affine_map<(d0, d1) -> (0, 0, 0)>
module attributes {stable_mosaic.version = 14 : i64} {
  func.func @_sc_seg(%arg0: i32, %arg1: i32, %arg2: memref<10000x128xf32, #tpu.memory_space<hbm>>, %arg3: memref<320000xi32, #tpu.memory_space<hbm>>, %arg4: memref<320000xi32, #tpu.memory_space<hbm>>, %arg5: memref<624x128xf32, #tpu.memory_space<hbm>>, %arg6: memref<2x10000x128xf32, #tpu.memory_space<hbm>>, %arg7: memref<10000x128xf32, #tpu.memory_space<vmem_shared>>, %arg8: memref<80xi32, #tpu.memory_space<vmem>>, %arg9: memref<80xi32, #tpu.memory_space<vmem>>, %arg10: memref<80xi32, #tpu.memory_space<vmem>>, %arg11: memref<80xi32, #tpu.memory_space<vmem>>, %arg12: memref<80x128xf32, #tpu.memory_space<vmem>>, %arg13: memref<80x128xf32, #tpu.memory_space<vmem>>, %arg14: memref<!tpu.dma_semaphore, #tpu.memory_space<semaphore_mem>>, %arg15: memref<!tpu.dma_semaphore, #tpu.memory_space<semaphore_mem>>) attributes {dimension_semantics = [#tpu.dimension_semantics<core_parallel>, #tpu.dimension_semantics<subcore_parallel>], iteration_bounds = array<i64: 2, 16>, scalar_prefetch = 0 : i64, scratch_operands = 9 : i64, tpu.core_type = #tpu.core_type<sc_vector_subcore>, window_params = [{transform_indices = #map}, {transform_indices = #map1}, {transform_indices = #map1}, {transform_indices = #map}, {transform_indices = #map2}]} {
    %mul3A = arith.constant 16 : i32
    %mul3A_0 = arith.muli %arg0, %mul3A : i32
    %add3A = arith.addi %mul3A_0, %arg1 : i32
    %mul3A_1 = arith.constant 624 : i32
    %mul3A_2 = arith.muli %arg1, %mul3A_1 : i32
    "tpu.region"() ({
      %run_scoped3A = tpu.sem_alloc : memref<!tpu.dma_semaphore, #tpu.memory_space<semaphore_mem>>
      %dma_start3A_28 = arith.constant 0 : i32
      %dma_start3A_29 = tpu.memref_slice %arg7[%mul3A_2, %dma_start3A_28] : memref<10000x128xf32, #tpu.memory_space<vmem_shared>> -> memref<624x128xf32, #tpu.memory_space<vmem_shared>>
      tpu.enqueue_dma source(%arg5 : memref<624x128xf32, #tpu.memory_space<hbm>>) target(%dma_start3A_29 : memref<624x128xf32, #tpu.memory_space<vmem_shared>>) target_semaphore(%run_scoped3A : memref<!tpu.dma_semaphore, #tpu.memory_space<semaphore_mem>>)
      %dma_wait3A_30 = arith.constant 0 : i32
      %dma_wait3A_31 = tpu.memref_slice %arg7[%mul3A_2, %dma_wait3A_30] : memref<10000x128xf32, #tpu.memory_space<vmem_shared>> -> memref<624x128xf32, #tpu.memory_space<vmem_shared>>
      tpu.wait_dma2 semaphore(%run_scoped3A : memref<!tpu.dma_semaphore, #tpu.memory_space<semaphore_mem>>) src(%arg5 : memref<624x128xf32, #tpu.memory_space<hbm>>) dst(%dma_wait3A_31 : memref<624x128xf32, #tpu.memory_space<vmem_shared>>)
      tpu.yield
    }) : () -> ()
    %eq3A = arith.constant 15 : i32
    %eq3A_3 = arith.cmpi eq, %arg1, %eq3A : i32
    %convert_element_type3A = arith.extui %eq3A_3 : i1 to i32
    %cond3A = arith.constant 0 : i32
    %cond3A_4 = arith.cmpi ne, %convert_element_type3A, %cond3A : i32
    scf.if %cond3A_4 {
      "tpu.region"() ({
        %run_scoped3A = tpu.sem_alloc : memref<!tpu.dma_semaphore, #tpu.memory_space<semaphore_mem>>
        %dma_start3A_28 = arith.constant 9984 : i32
        %dma_start3A_29 = arith.constant 0 : i32
        %dma_start3A_30 = tpu.memref_slice %arg7[%dma_start3A_28, %dma_start3A_29] : memref<10000x128xf32, #tpu.memory_space<vmem_shared>> -> memref<16x128xf32, #tpu.memory_space<vmem_shared>>
        %dma_start3A_31 = arith.constant 0 : i32
        %dma_start3A_32 = arith.constant 0 : i32
        %dma_start3A_33 = tpu.memref_slice %arg5[%dma_start3A_31, %dma_start3A_32] : memref<624x128xf32, #tpu.memory_space<hbm>> -> memref<16x128xf32, #tpu.memory_space<hbm>>
        tpu.enqueue_dma source(%dma_start3A_33 : memref<16x128xf32, #tpu.memory_space<hbm>>) target(%dma_start3A_30 : memref<16x128xf32, #tpu.memory_space<vmem_shared>>) target_semaphore(%run_scoped3A : memref<!tpu.dma_semaphore, #tpu.memory_space<semaphore_mem>>)
        %dma_wait3A_34 = arith.constant 9984 : i32
        %dma_wait3A_35 = arith.constant 0 : i32
        %dma_wait3A_36 = tpu.memref_slice %arg7[%dma_wait3A_34, %dma_wait3A_35] : memref<10000x128xf32, #tpu.memory_space<vmem_shared>> -> memref<16x128xf32, #tpu.memory_space<vmem_shared>>
        %dma_wait3A_37 = arith.constant 0 : i32
        %dma_wait3A_38 = arith.constant 0 : i32
        %dma_wait3A_39 = tpu.memref_slice %arg5[%dma_wait3A_37, %dma_wait3A_38] : memref<624x128xf32, #tpu.memory_space<hbm>> -> memref<16x128xf32, #tpu.memory_space<hbm>>
        tpu.wait_dma2 semaphore(%run_scoped3A : memref<!tpu.dma_semaphore, #tpu.memory_space<semaphore_mem>>) src(%dma_wait3A_39 : memref<16x128xf32, #tpu.memory_space<hbm>>) dst(%dma_wait3A_36 : memref<16x128xf32, #tpu.memory_space<vmem_shared>>)
        tpu.yield
      }) : () -> ()
    } else {
    }
    %barrier3A = arith.constant 0 : index
    tpu.barrier barrier_id(%barrier3A)
    %mul3A_5 = arith.constant 10000 : i32
    %mul3A_6 = arith.muli %add3A, %mul3A_5 : i32
    %add3A_7 = arith.constant 0 : i32
    %add3A_8 = arith.addi %mul3A_6, %add3A_7 : i32
    "tpu.region"() ({
      %run_scoped3A = tpu.sem_alloc : memref<!tpu.dma_semaphore, #tpu.memory_space<semaphore_mem>>
      %dma_start3A_28 = tpu.memref_slice %arg3[%add3A_8] : memref<320000xi32, #tpu.memory_space<hbm>> -> memref<80xi32, #tpu.memory_space<hbm>>
      %dma_start3A_29 = tpu.memref_slice %arg3[%add3A_8] : memref<320000xi32, #tpu.memory_space<hbm>> -> memref<80xi32, #tpu.memory_space<hbm>>
      tpu.enqueue_dma source(%dma_start3A_29 : memref<80xi32, #tpu.memory_space<hbm>>) target(%arg8 : memref<80xi32, #tpu.memory_space<vmem>>) target_semaphore(%run_scoped3A : memref<!tpu.dma_semaphore, #tpu.memory_space<semaphore_mem>>)
      %dma_wait3A_30 = tpu.memref_slice %arg3[%add3A_8] : memref<320000xi32, #tpu.memory_space<hbm>> -> memref<80xi32, #tpu.memory_space<hbm>>
      %dma_wait3A_31 = tpu.memref_slice %arg3[%add3A_8] : memref<320000xi32, #tpu.memory_space<hbm>> -> memref<80xi32, #tpu.memory_space<hbm>>
      tpu.wait_dma2 semaphore(%run_scoped3A : memref<!tpu.dma_semaphore, #tpu.memory_space<semaphore_mem>>) src(%dma_wait3A_31 : memref<80xi32, #tpu.memory_space<hbm>>) dst(%arg8 : memref<80xi32, #tpu.memory_space<vmem>>)
      tpu.yield
    }) : () -> ()
    "tpu.region"() ({
      %run_scoped3A = tpu.sem_alloc : memref<!tpu.dma_semaphore, #tpu.memory_space<semaphore_mem>>
      %dma_start3A_28 = tpu.memref_slice %arg4[%add3A_8] : memref<320000xi32, #tpu.memory_space<hbm>> -> memref<80xi32, #tpu.memory_space<hbm>>
      %dma_start3A_29 = tpu.memref_slice %arg4[%add3A_8] : memref<320000xi32, #tpu.memory_space<hbm>> -> memref<80xi32, #tpu.memory_space<hbm>>
      tpu.enqueue_dma source(%dma_start3A_29 : memref<80xi32, #tpu.memory_space<hbm>>) target(%arg9 : memref<80xi32, #tpu.memory_space<vmem>>) target_semaphore(%run_scoped3A : memref<!tpu.dma_semaphore, #tpu.memory_space<semaphore_mem>>)
      %dma_wait3A_30 = tpu.memref_slice %arg4[%add3A_8] : memref<320000xi32, #tpu.memory_space<hbm>> -> memref<80xi32, #tpu.memory_space<hbm>>
      %dma_wait3A_31 = tpu.memref_slice %arg4[%add3A_8] : memref<320000xi32, #tpu.memory_space<hbm>> -> memref<80xi32, #tpu.memory_space<hbm>>
      tpu.wait_dma2 semaphore(%run_scoped3A : memref<!tpu.dma_semaphore, #tpu.memory_space<semaphore_mem>>) src(%dma_wait3A_31 : memref<80xi32, #tpu.memory_space<hbm>>) dst(%arg9 : memref<80xi32, #tpu.memory_space<vmem>>)
      tpu.yield
    }) : () -> ()
    %dma_start3A = arith.constant 0 : i32
    %dma_start3A_9 = arith.constant 0 : i32
    %dma_start3A_10 = tpu.memref_slice %arg2[%dma_start3A, %dma_start3A_9] : memref<10000x128xf32, #tpu.memory_space<hbm>> -> memref<10000x128xf32, #tpu.memory_space<hbm>>
    tpu.enqueue_indirect_dma source(%dma_start3A_10 : memref<10000x128xf32, #tpu.memory_space<hbm>>) target(%arg12 : memref<80x128xf32, #tpu.memory_space<vmem>>) offsets(%arg8 : memref<80xi32, #tpu.memory_space<vmem>>) semaphore(%arg14 : memref<!tpu.dma_semaphore, #tpu.memory_space<semaphore_mem>>)
    %scan3A = arith.constant 0 : i32
    %scan3A_11 = arith.constant 0 : i32
    %scan3A_12 = arith.constant 62 : i32
    %scan3A_13 = arith.addi %scan3A_11, %scan3A_12 : i32
    %scan3A_14 = arith.constant 1 : i32
    scf.for %scan3A_28 = %scan3A_11 to %scan3A_13 step %scan3A_14  : i32 {
      %mul3A_29 = arith.constant 2 : i32
      %mul3A_30 = arith.muli %mul3A_29, %scan3A_28 : i32
      %add3A_31 = arith.constant 1 : i32
      %add3A_32 = arith.addi %mul3A_30, %add3A_31 : i32
      %mul3A_33 = arith.constant 10000 : i32
      %mul3A_34 = arith.muli %add3A, %mul3A_33 : i32
      %mul3A_35 = arith.constant 80 : i32
      %mul3A_36 = arith.muli %add3A_32, %mul3A_35 : i32
      %add3A_37 = arith.addi %mul3A_34, %mul3A_36 : i32
      "tpu.region"() ({
        %run_scoped3A = tpu.sem_alloc : memref<!tpu.dma_semaphore, #tpu.memory_space<semaphore_mem>>
        %dma_start3A_57 = tpu.memref_slice %arg3[%add3A_37] : memref<320000xi32, #tpu.memory_space<hbm>> -> memref<80xi32, #tpu.memory_space<hbm>>
        %dma_start3A_58 = tpu.memref_slice %arg3[%add3A_37] : memref<320000xi32, #tpu.memory_space<hbm>> -> memref<80xi32, #tpu.memory_space<hbm>>
        tpu.enqueue_dma source(%dma_start3A_58 : memref<80xi32, #tpu.memory_space<hbm>>) target(%arg10 : memref<80xi32, #tpu.memory_space<vmem>>) target_semaphore(%run_scoped3A : memref<!tpu.dma_semaphore, #tpu.memory_space<semaphore_mem>>)
        %dma_wait3A_59 = tpu.memref_slice %arg3[%add3A_37] : memref<320000xi32, #tpu.memory_space<hbm>> -> memref<80xi32, #tpu.memory_space<hbm>>
        %dma_wait3A_60 = tpu.memref_slice %arg3[%add3A_37] : memref<320000xi32, #tpu.memory_space<hbm>> -> memref<80xi32, #tpu.memory_space<hbm>>
        tpu.wait_dma2 semaphore(%run_scoped3A : memref<!tpu.dma_semaphore, #tpu.memory_space<semaphore_mem>>) src(%dma_wait3A_60 : memref<80xi32, #tpu.memory_space<hbm>>) dst(%arg10 : memref<80xi32, #tpu.memory_space<vmem>>)
        tpu.yield
      }) : () -> ()
      "tpu.region"() ({
        %run_scoped3A = tpu.sem_alloc : memref<!tpu.dma_semaphore, #tpu.memory_space<semaphore_mem>>
        %dma_start3A_57 = tpu.memref_slice %arg4[%add3A_37] : memref<320000xi32, #tpu.memory_space<hbm>> -> memref<80xi32, #tpu.memory_space<hbm>>
        %dma_start3A_58 = tpu.memref_slice %arg4[%add3A_37] : memref<320000xi32, #tpu.memory_space<hbm>> -> memref<80xi32, #tpu.memory_space<hbm>>
        tpu.enqueue_dma source(%dma_start3A_58 : memref<80xi32, #tpu.memory_space<hbm>>) target(%arg11 : memref<80xi32, #tpu.memory_space<vmem>>) target_semaphore(%run_scoped3A : memref<!tpu.dma_semaphore, #tpu.memory_space<semaphore_mem>>)
        %dma_wait3A_59 = tpu.memref_slice %arg4[%add3A_37] : memref<320000xi32, #tpu.memory_space<hbm>> -> memref<80xi32, #tpu.memory_space<hbm>>
        %dma_wait3A_60 = tpu.memref_slice %arg4[%add3A_37] : memref<320000xi32, #tpu.memory_space<hbm>> -> memref<80xi32, #tpu.memory_space<hbm>>
        tpu.wait_dma2 semaphore(%run_scoped3A : memref<!tpu.dma_semaphore, #tpu.memory_space<semaphore_mem>>) src(%dma_wait3A_60 : memref<80xi32, #tpu.memory_space<hbm>>) dst(%arg11 : memref<80xi32, #tpu.memory_space<vmem>>)
        tpu.yield
      }) : () -> ()
      %dma_wait3A_38 = arith.constant 0 : i32
      %dma_wait3A_39 = arith.constant 0 : i32
      %dma_wait3A_40 = tpu.memref_slice %arg2[%dma_wait3A_38, %dma_wait3A_39] : memref<10000x128xf32, #tpu.memory_space<hbm>> -> memref<10000x128xf32, #tpu.memory_space<hbm>>
      tpu.wait_indirect_dma semaphore(%arg14 : memref<!tpu.dma_semaphore, #tpu.memory_space<semaphore_mem>>) src(%dma_wait3A_40 : memref<10000x128xf32, #tpu.memory_space<hbm>>) dst(%arg12 : memref<80x128xf32, #tpu.memory_space<vmem>>)
      %dma_start3A_41 = arith.constant 0 : i32
      %dma_start3A_42 = arith.constant 0 : i32
      %dma_start3A_43 = tpu.memref_slice %arg2[%dma_start3A_41, %dma_start3A_42] : memref<10000x128xf32, #tpu.memory_space<hbm>> -> memref<10000x128xf32, #tpu.memory_space<hbm>>
      tpu.enqueue_indirect_dma source(%dma_start3A_43 : memref<10000x128xf32, #tpu.memory_space<hbm>>) target(%arg13 : memref<80x128xf32, #tpu.memory_space<vmem>>) offsets(%arg10 : memref<80xi32, #tpu.memory_space<vmem>>) semaphore(%arg15 : memref<!tpu.dma_semaphore, #tpu.memory_space<semaphore_mem>>)
      "tpu.region"() ({
        %run_scoped3A = tpu.sem_alloc : memref<!tpu.dma_semaphore, #tpu.memory_space<semaphore_mem>>
        %dma_start3A_57 = arith.constant 0 : i32
        %dma_start3A_58 = arith.constant 0 : i32
        %dma_start3A_59 = tpu.memref_slice %arg7[%dma_start3A_57, %dma_start3A_58] : memref<10000x128xf32, #tpu.memory_space<vmem_shared>> -> memref<10000x128xf32, #tpu.memory_space<vmem_shared>>
        tpu.enqueue_indirect_dma source(%arg12 : memref<80x128xf32, #tpu.memory_space<vmem>>) target(%dma_start3A_59 : memref<10000x128xf32, #tpu.memory_space<vmem_shared>>) offsets(%arg9 : memref<80xi32, #tpu.memory_space<vmem>>) semaphore(%run_scoped3A : memref<!tpu.dma_semaphore, #tpu.memory_space<semaphore_mem>>) {add = true}
        %dma_wait3A_60 = arith.constant 0 : i32
        %dma_wait3A_61 = arith.constant 0 : i32
        %dma_wait3A_62 = tpu.memref_slice %arg7[%dma_wait3A_60, %dma_wait3A_61] : memref<10000x128xf32, #tpu.memory_space<vmem_shared>> -> memref<10000x128xf32, #tpu.memory_space<vmem_shared>>
        tpu.wait_indirect_dma semaphore(%run_scoped3A : memref<!tpu.dma_semaphore, #tpu.memory_space<semaphore_mem>>) src(%arg12 : memref<80x128xf32, #tpu.memory_space<vmem>>) dst(%dma_wait3A_62 : memref<10000x128xf32, #tpu.memory_space<vmem_shared>>)
        tpu.yield
      }) : () -> ()
      %add3A_44 = arith.constant 2 : i32
      %add3A_45 = arith.addi %mul3A_30, %add3A_44 : i32
      %mul3A_46 = arith.constant 10000 : i32
      %mul3A_47 = arith.muli %add3A, %mul3A_46 : i32
      %mul3A_48 = arith.constant 80 : i32
      %mul3A_49 = arith.muli %add3A_45, %mul3A_48 : i32
      %add3A_50 = arith.addi %mul3A_47, %mul3A_49 : i32
      "tpu.region"() ({
        %run_scoped3A = tpu.sem_alloc : memref<!tpu.dma_semaphore, #tpu.memory_space<semaphore_mem>>
        %dma_start3A_57 = tpu.memref_slice %arg3[%add3A_50] : memref<320000xi32, #tpu.memory_space<hbm>> -> memref<80xi32, #tpu.memory_space<hbm>>
        %dma_start3A_58 = tpu.memref_slice %arg3[%add3A_50] : memref<320000xi32, #tpu.memory_space<hbm>> -> memref<80xi32, #tpu.memory_space<hbm>>
        tpu.enqueue_dma source(%dma_start3A_58 : memref<80xi32, #tpu.memory_space<hbm>>) target(%arg8 : memref<80xi32, #tpu.memory_space<vmem>>) target_semaphore(%run_scoped3A : memref<!tpu.dma_semaphore, #tpu.memory_space<semaphore_mem>>)
        %dma_wait3A_59 = tpu.memref_slice %arg3[%add3A_50] : memref<320000xi32, #tpu.memory_space<hbm>> -> memref<80xi32, #tpu.memory_space<hbm>>
        %dma_wait3A_60 = tpu.memref_slice %arg3[%add3A_50] : memref<320000xi32, #tpu.memory_space<hbm>> -> memref<80xi32, #tpu.memory_space<hbm>>
        tpu.wait_dma2 semaphore(%run_scoped3A : memref<!tpu.dma_semaphore, #tpu.memory_space<semaphore_mem>>) src(%dma_wait3A_60 : memref<80xi32, #tpu.memory_space<hbm>>) dst(%arg8 : memref<80xi32, #tpu.memory_space<vmem>>)
        tpu.yield
      }) : () -> ()
      "tpu.region"() ({
        %run_scoped3A = tpu.sem_alloc : memref<!tpu.dma_semaphore, #tpu.memory_space<semaphore_mem>>
        %dma_start3A_57 = tpu.memref_slice %arg4[%add3A_50] : memref<320000xi32, #tpu.memory_space<hbm>> -> memref<80xi32, #tpu.memory_space<hbm>>
        %dma_start3A_58 = tpu.memref_slice %arg4[%add3A_50] : memref<320000xi32, #tpu.memory_space<hbm>> -> memref<80xi32, #tpu.memory_space<hbm>>
        tpu.enqueue_dma source(%dma_start3A_58 : memref<80xi32, #tpu.memory_space<hbm>>) target(%arg9 : memref<80xi32, #tpu.memory_space<vmem>>) target_semaphore(%run_scoped3A : memref<!tpu.dma_semaphore, #tpu.memory_space<semaphore_mem>>)
        %dma_wait3A_59 = tpu.memref_slice %arg4[%add3A_50] : memref<320000xi32, #tpu.memory_space<hbm>> -> memref<80xi32, #tpu.memory_space<hbm>>
        %dma_wait3A_60 = tpu.memref_slice %arg4[%add3A_50] : memref<320000xi32, #tpu.memory_space<hbm>> -> memref<80xi32, #tpu.memory_space<hbm>>
        tpu.wait_dma2 semaphore(%run_scoped3A : memref<!tpu.dma_semaphore, #tpu.memory_space<semaphore_mem>>) src(%dma_wait3A_60 : memref<80xi32, #tpu.memory_space<hbm>>) dst(%arg9 : memref<80xi32, #tpu.memory_space<vmem>>)
        tpu.yield
      }) : () -> ()
      %dma_wait3A_51 = arith.constant 0 : i32
      %dma_wait3A_52 = arith.constant 0 : i32
      %dma_wait3A_53 = tpu.memref_slice %arg2[%dma_wait3A_51, %dma_wait3A_52] : memref<10000x128xf32, #tpu.memory_space<hbm>> -> memref<10000x128xf32, #tpu.memory_space<hbm>>
      tpu.wait_indirect_dma semaphore(%arg15 : memref<!tpu.dma_semaphore, #tpu.memory_space<semaphore_mem>>) src(%dma_wait3A_53 : memref<10000x128xf32, #tpu.memory_space<hbm>>) dst(%arg13 : memref<80x128xf32, #tpu.memory_space<vmem>>)
      %dma_start3A_54 = arith.constant 0 : i32
      %dma_start3A_55 = arith.constant 0 : i32
      %dma_start3A_56 = tpu.memref_slice %arg2[%dma_start3A_54, %dma_start3A_55] : memref<10000x128xf32, #tpu.memory_space<hbm>> -> memref<10000x128xf32, #tpu.memory_space<hbm>>
      tpu.enqueue_indirect_dma source(%dma_start3A_56 : memref<10000x128xf32, #tpu.memory_space<hbm>>) target(%arg12 : memref<80x128xf32, #tpu.memory_space<vmem>>) offsets(%arg8 : memref<80xi32, #tpu.memory_space<vmem>>) semaphore(%arg14 : memref<!tpu.dma_semaphore, #tpu.memory_space<semaphore_mem>>)
      "tpu.region"() ({
        %run_scoped3A = tpu.sem_alloc : memref<!tpu.dma_semaphore, #tpu.memory_space<semaphore_mem>>
        %dma_start3A_57 = arith.constant 0 : i32
        %dma_start3A_58 = arith.constant 0 : i32
        %dma_start3A_59 = tpu.memref_slice %arg7[%dma_start3A_57, %dma_start3A_58] : memref<10000x128xf32, #tpu.memory_space<vmem_shared>> -> memref<10000x128xf32, #tpu.memory_space<vmem_shared>>
        tpu.enqueue_indirect_dma source(%arg13 : memref<80x128xf32, #tpu.memory_space<vmem>>) target(%dma_start3A_59 : memref<10000x128xf32, #tpu.memory_space<vmem_shared>>) offsets(%arg11 : memref<80xi32, #tpu.memory_space<vmem>>) semaphore(%run_scoped3A : memref<!tpu.dma_semaphore, #tpu.memory_space<semaphore_mem>>) {add = true}
        %dma_wait3A_60 = arith.constant 0 : i32
        %dma_wait3A_61 = arith.constant 0 : i32
        %dma_wait3A_62 = tpu.memref_slice %arg7[%dma_wait3A_60, %dma_wait3A_61] : memref<10000x128xf32, #tpu.memory_space<vmem_shared>> -> memref<10000x128xf32, #tpu.memory_space<vmem_shared>>
        tpu.wait_indirect_dma semaphore(%run_scoped3A : memref<!tpu.dma_semaphore, #tpu.memory_space<semaphore_mem>>) src(%arg13 : memref<80x128xf32, #tpu.memory_space<vmem>>) dst(%dma_wait3A_62 : memref<10000x128xf32, #tpu.memory_space<vmem_shared>>)
        tpu.yield
      }) : () -> ()
    }
    %scan3A_15 = arith.constant 62 : i32
    %dma_wait3A = arith.constant 0 : i32
    %dma_wait3A_16 = arith.constant 0 : i32
    %dma_wait3A_17 = tpu.memref_slice %arg2[%dma_wait3A, %dma_wait3A_16] : memref<10000x128xf32, #tpu.memory_space<hbm>> -> memref<10000x128xf32, #tpu.memory_space<hbm>>
    tpu.wait_indirect_dma semaphore(%arg14 : memref<!tpu.dma_semaphore, #tpu.memory_space<semaphore_mem>>) src(%dma_wait3A_17 : memref<10000x128xf32, #tpu.memory_space<hbm>>) dst(%arg12 : memref<80x128xf32, #tpu.memory_space<vmem>>)
    "tpu.region"() ({
      %run_scoped3A = tpu.sem_alloc : memref<!tpu.dma_semaphore, #tpu.memory_space<semaphore_mem>>
      %dma_start3A_28 = arith.constant 0 : i32
      %dma_start3A_29 = arith.constant 0 : i32
      %dma_start3A_30 = tpu.memref_slice %arg7[%dma_start3A_28, %dma_start3A_29] : memref<10000x128xf32, #tpu.memory_space<vmem_shared>> -> memref<10000x128xf32, #tpu.memory_space<vmem_shared>>
      tpu.enqueue_indirect_dma source(%arg12 : memref<80x128xf32, #tpu.memory_space<vmem>>) target(%dma_start3A_30 : memref<10000x128xf32, #tpu.memory_space<vmem_shared>>) offsets(%arg9 : memref<80xi32, #tpu.memory_space<vmem>>) semaphore(%run_scoped3A : memref<!tpu.dma_semaphore, #tpu.memory_space<semaphore_mem>>) {add = true}
      %dma_wait3A_31 = arith.constant 0 : i32
      %dma_wait3A_32 = arith.constant 0 : i32
      %dma_wait3A_33 = tpu.memref_slice %arg7[%dma_wait3A_31, %dma_wait3A_32] : memref<10000x128xf32, #tpu.memory_space<vmem_shared>> -> memref<10000x128xf32, #tpu.memory_space<vmem_shared>>
      tpu.wait_indirect_dma semaphore(%run_scoped3A : memref<!tpu.dma_semaphore, #tpu.memory_space<semaphore_mem>>) src(%arg12 : memref<80x128xf32, #tpu.memory_space<vmem>>) dst(%dma_wait3A_33 : memref<10000x128xf32, #tpu.memory_space<vmem_shared>>)
      tpu.yield
    }) : () -> ()
    %barrier3A_18 = arith.constant 0 : index
    tpu.barrier barrier_id(%barrier3A_18)
    %mul3A_19 = arith.constant 624 : i32
    %mul3A_20 = arith.muli %arg1, %mul3A_19 : i32
    %mul3A_21 = arith.constant 624 : i32
    %mul3A_22 = arith.muli %arg1, %mul3A_21 : i32
    "tpu.region"() ({
      %run_scoped3A = tpu.sem_alloc : memref<!tpu.dma_semaphore, #tpu.memory_space<semaphore_mem>>
      %dma_start3A_28 = arith.constant 0 : i32
      %dma_start3A_29 = tpu.memref_slice %arg6[%arg0, %mul3A_22, %dma_start3A_28] : memref<2x10000x128xf32, #tpu.memory_space<hbm>> -> memref<1x624x128xf32, #tpu.memory_space<hbm>>
      %dma_start3A_30 = tpu.memref_squeeze %dma_start3A_29 : memref<1x624x128xf32, #tpu.memory_space<hbm>> -> memref<624x128xf32, #tpu.memory_space<hbm>>
      %dma_start3A_31 = arith.constant 0 : i32
      %dma_start3A_32 = tpu.memref_slice %arg7[%mul3A_20, %dma_start3A_31] : memref<10000x128xf32, #tpu.memory_space<vmem_shared>> -> memref<624x128xf32, #tpu.memory_space<vmem_shared>>
      tpu.enqueue_dma source(%dma_start3A_32 : memref<624x128xf32, #tpu.memory_space<vmem_shared>>) target(%dma_start3A_30 : memref<624x128xf32, #tpu.memory_space<hbm>>) target_semaphore(%run_scoped3A : memref<!tpu.dma_semaphore, #tpu.memory_space<semaphore_mem>>)
      %dma_wait3A_33 = arith.constant 0 : i32
      %dma_wait3A_34 = tpu.memref_slice %arg6[%arg0, %mul3A_22, %dma_wait3A_33] : memref<2x10000x128xf32, #tpu.memory_space<hbm>> -> memref<1x624x128xf32, #tpu.memory_space<hbm>>
      %dma_wait3A_35 = tpu.memref_squeeze %dma_wait3A_34 : memref<1x624x128xf32, #tpu.memory_space<hbm>> -> memref<624x128xf32, #tpu.memory_space<hbm>>
      %dma_wait3A_36 = arith.constant 0 : i32
      %dma_wait3A_37 = tpu.memref_slice %arg7[%mul3A_20, %dma_wait3A_36] : memref<10000x128xf32, #tpu.memory_space<vmem_shared>> -> memref<624x128xf32, #tpu.memory_space<vmem_shared>>
      tpu.wait_dma2 semaphore(%run_scoped3A : memref<!tpu.dma_semaphore, #tpu.memory_space<semaphore_mem>>) src(%dma_wait3A_37 : memref<624x128xf32, #tpu.memory_space<vmem_shared>>) dst(%dma_wait3A_35 : memref<624x128xf32, #tpu.memory_space<hbm>>)
      tpu.yield
    }) : () -> ()
    %eq3A_23 = arith.constant 15 : i32
    %eq3A_24 = arith.cmpi eq, %arg1, %eq3A_23 : i32
    %convert_element_type3A_25 = arith.extui %eq3A_24 : i1 to i32
    %cond3A_26 = arith.constant 0 : i32
    %cond3A_27 = arith.cmpi ne, %convert_element_type3A_25, %cond3A_26 : i32
    scf.if %cond3A_27 {
      "tpu.region"() ({
        %run_scoped3A = tpu.sem_alloc : memref<!tpu.dma_semaphore, #tpu.memory_space<semaphore_mem>>
        %dma_start3A_28 = arith.constant 9984 : i32
        %dma_start3A_29 = arith.constant 0 : i32
        %dma_start3A_30 = tpu.memref_slice %arg6[%arg0, %dma_start3A_28, %dma_start3A_29] : memref<2x10000x128xf32, #tpu.memory_space<hbm>> -> memref<1x16x128xf32, #tpu.memory_space<hbm>>
        %dma_start3A_31 = tpu.memref_squeeze %dma_start3A_30 : memref<1x16x128xf32, #tpu.memory_space<hbm>> -> memref<16x128xf32, #tpu.memory_space<hbm>>
        %dma_start3A_32 = arith.constant 9984 : i32
        %dma_start3A_33 = arith.constant 0 : i32
        %dma_start3A_34 = tpu.memref_slice %arg7[%dma_start3A_32, %dma_start3A_33] : memref<10000x128xf32, #tpu.memory_space<vmem_shared>> -> memref<16x128xf32, #tpu.memory_space<vmem_shared>>
        tpu.enqueue_dma source(%dma_start3A_34 : memref<16x128xf32, #tpu.memory_space<vmem_shared>>) target(%dma_start3A_31 : memref<16x128xf32, #tpu.memory_space<hbm>>) target_semaphore(%run_scoped3A : memref<!tpu.dma_semaphore, #tpu.memory_space<semaphore_mem>>)
        %dma_wait3A_35 = arith.constant 9984 : i32
        %dma_wait3A_36 = arith.constant 0 : i32
        %dma_wait3A_37 = tpu.memref_slice %arg6[%arg0, %dma_wait3A_35, %dma_wait3A_36] : memref<2x10000x128xf32, #tpu.memory_space<hbm>> -> memref<1x16x128xf32, #tpu.memory_space<hbm>>
        %dma_wait3A_38 = tpu.memref_squeeze %dma_wait3A_37 : memref<1x16x128xf32, #tpu.memory_space<hbm>> -> memref<16x128xf32, #tpu.memory_space<hbm>>
        %dma_wait3A_39 = arith.constant 9984 : i32
        %dma_wait3A_40 = arith.constant 0 : i32
        %dma_wait3A_41 = tpu.memref_slice %arg7[%dma_wait3A_39, %dma_wait3A_40] : memref<10000x128xf32, #tpu.memory_space<vmem_shared>> -> memref<16x128xf32, #tpu.memory_space<vmem_shared>>
        tpu.wait_dma2 semaphore(%run_scoped3A : memref<!tpu.dma_semaphore, #tpu.memory_space<semaphore_mem>>) src(%dma_wait3A_41 : memref<16x128xf32, #tpu.memory_space<vmem_shared>>) dst(%dma_wait3A_38 : memref<16x128xf32, #tpu.memory_space<hbm>>)
        tpu.yield
      }) : () -> ()
    } else {
    }
    return
  }
}

module attributes {stable_mosaic.version = 14 : i64} {
  func.func @_tc_body(%arg0: i32, %arg1: memref<1000x128xf32, #tpu.memory_space<vmem>>, %arg2: memref<2x1000x128xf32, #tpu.memory_space<vmem>>, %arg3: memref<2x1000x128xf32, #tpu.memory_space<vmem>>, %arg4: memref<128x128xf32, #tpu.memory_space<vmem>>, %arg5: memref<128x128xf32, #tpu.memory_space<vmem>>, %arg6: memref<16x128xf32, #tpu.memory_space<vmem>>, %arg7: memref<1x128xf32, #tpu.memory_space<vmem>>, %arg8: memref<128x384xf32, #tpu.memory_space<vmem>>, %arg9: memref<128x384xf32, #tpu.memory_space<vmem>>, %arg10: memref<1x384xf32, #tpu.memory_space<vmem>>, %arg11: memref<1x384xf32, #tpu.memory_space<vmem>>, %arg12: memref<1000x128xf32, #tpu.memory_space<vmem>>) attributes {dimension_semantics = [#tpu.dimension_semantics<arbitrary>], iteration_bounds = array<i64: 10>, scalar_prefetch = 0 : i64, scratch_operands = 0 : i64, tpu.core_type = #tpu.core_type<tc>, window_params = [{transform_indices = @transform_0, window_bounds = array<i64: 1000, 128>}, {transform_indices = @transform_1, window_bounds = array<i64: 2, 1000, 128>}, {transform_indices = @transform_2, window_bounds = array<i64: 2, 1000, 128>}, {pipeline_mode = #tpu.pipeline_mode<synchronous>, transform_indices = @transform_3, window_bounds = array<i64: 128, 128>}, {pipeline_mode = #tpu.pipeline_mode<synchronous>, transform_indices = @transform_4, window_bounds = array<i64: 128, 128>}, {pipeline_mode = #tpu.pipeline_mode<synchronous>, transform_indices = @transform_5, window_bounds = array<i64: 16, 128>}, {pipeline_mode = #tpu.pipeline_mode<synchronous>, transform_indices = @transform_6, window_bounds = array<i64: 1, 128>}, {pipeline_mode = #tpu.pipeline_mode<synchronous>, transform_indices = @transform_7, window_bounds = array<i64: 128, 384>}, {pipeline_mode = #tpu.pipeline_mode<synchronous>, transform_indices = @transform_8, window_bounds = array<i64: 128, 384>}, {pipeline_mode = #tpu.pipeline_mode<synchronous>, transform_indices = @transform_9, window_bounds = array<i64: 1, 384>}, {pipeline_mode = #tpu.pipeline_mode<synchronous>, transform_indices = @transform_10, window_bounds = array<i64: 1, 384>}, {transform_indices = @transform_11, window_bounds = array<i64: 1000, 128>}]} {
    %get3A = arith.constant 0 : index
    %get3A_0 = arith.constant 0 : index
    %get3A_1 = vector.load %arg1[%get3A, %get3A_0] : memref<1000x128xf32, #tpu.memory_space<vmem>>, vector<1000x128xf32>
    %convert_element_type3A = arith.truncf %get3A_1 : vector<1000x128xf32> to vector<1000x128xbf16>
    %convert_element_type3A_2 = arith.extf %convert_element_type3A : vector<1000x128xbf16> to vector<1000x128xf32>
    %get3A_3 = arith.constant 0 : index
    %get3A_4 = arith.constant 0 : index
    %get3A_5 = arith.constant 0 : index
    %get3A_6 = vector.load %arg2[%get3A_3, %get3A_4, %get3A_5] : memref<2x1000x128xf32, #tpu.memory_space<vmem>>, vector<1x1000x128xf32>
    %get3A_7 = vector.shape_cast %get3A_6 : vector<1x1000x128xf32> to vector<1000x128xf32>
    %get3A_8 = arith.constant 1 : index
    %get3A_9 = arith.constant 0 : index
    %get3A_10 = arith.constant 0 : index
    %get3A_11 = vector.load %arg2[%get3A_8, %get3A_9, %get3A_10] : memref<2x1000x128xf32, #tpu.memory_space<vmem>>, vector<1x1000x128xf32>
    %get3A_12 = vector.shape_cast %get3A_11 : vector<1x1000x128xf32> to vector<1000x128xf32>
    %add3A = arith.addf %get3A_7, %get3A_12 : vector<1000x128xf32>
    %get3A_13 = arith.constant 0 : index
    %get3A_14 = arith.constant 0 : index
    %get3A_15 = arith.constant 0 : index
    %get3A_16 = vector.load %arg3[%get3A_13, %get3A_14, %get3A_15] : memref<2x1000x128xf32, #tpu.memory_space<vmem>>, vector<1x1000x128xf32>
    %get3A_17 = vector.shape_cast %get3A_16 : vector<1x1000x128xf32> to vector<1000x128xf32>
    %get3A_18 = arith.constant 1 : index
    %get3A_19 = arith.constant 0 : index
    %get3A_20 = arith.constant 0 : index
    %get3A_21 = vector.load %arg3[%get3A_18, %get3A_19, %get3A_20] : memref<2x1000x128xf32, #tpu.memory_space<vmem>>, vector<1x1000x128xf32>
    %get3A_22 = vector.shape_cast %get3A_21 : vector<1x1000x128xf32> to vector<1000x128xf32>
    %add3A_23 = arith.addf %get3A_17, %get3A_22 : vector<1000x128xf32>
    %slice3A = vector.extract_strided_slice %add3A_23 {offsets = [0, 0], sizes = [1000, 16], strides = [1, 1]} : vector<1000x128xf32> to vector<1000x16xf32>
    %slice3A_24 = vector.extract_strided_slice %add3A_23 {offsets = [0, 16], sizes = [1000, 1], strides = [1, 1]} : vector<1000x128xf32> to vector<1000x1xf32>
    %get3A_25 = arith.constant 0 : index
    %get3A_26 = arith.constant 0 : index
    %get3A_27 = vector.load %arg4[%get3A_25, %get3A_26] : memref<128x128xf32, #tpu.memory_space<vmem>>, vector<128x128xf32>
    %dot_general3A = arith.constant dense<0.000000e+00> : vector<1000x128xf32>
    %dot_general3A_28 = tpu.matmul %add3A, %get3A_27, %dot_general3A {dimension_numbers = #tpu.dot_dimension_numbers<[1], [0], [0], [1], [0, 0, 1, 1], [], []>, precision = #tpu.contract_precision<fp32>, transpose_lhs_hint = false} : vector<1000x128xf32>, vector<128x128xf32>, vector<1000x128xf32> -> vector<1000x128xf32>
    %mul3A = vector.broadcast %slice3A_24 : vector<1000x1xf32> to vector<1000x128xf32>
    %mul3A_29 = arith.mulf %mul3A, %convert_element_type3A_2 : vector<1000x128xf32>
    %get3A_30 = arith.constant 0 : index
    %get3A_31 = arith.constant 0 : index
    %get3A_32 = vector.load %arg5[%get3A_30, %get3A_31] : memref<128x128xf32, #tpu.memory_space<vmem>>, vector<128x128xf32>
    %dot_general3A_33 = arith.constant dense<0.000000e+00> : vector<1000x128xf32>
    %dot_general3A_34 = tpu.matmul %mul3A_29, %get3A_32, %dot_general3A_33 {dimension_numbers = #tpu.dot_dimension_numbers<[1], [0], [0], [1], [0, 0, 1, 1], [], []>, precision = #tpu.contract_precision<fp32>, transpose_lhs_hint = false} : vector<1000x128xf32>, vector<128x128xf32>, vector<1000x128xf32> -> vector<1000x128xf32>
    %add3A_35 = arith.addf %dot_general3A_28, %dot_general3A_34 : vector<1000x128xf32>
    %get3A_36 = arith.constant 0 : index
    %get3A_37 = arith.constant 0 : index
    %get3A_38 = vector.load %arg6[%get3A_36, %get3A_37] : memref<16x128xf32, #tpu.memory_space<vmem>>, vector<16x128xf32>
    %dot_general3A_39 = arith.constant dense<0.000000e+00> : vector<1000x128xf32>
    %dot_general3A_40 = tpu.matmul %slice3A, %get3A_38, %dot_general3A_39 {dimension_numbers = #tpu.dot_dimension_numbers<[1], [0], [0], [1], [0, 0, 1, 1], [], []>, precision = #tpu.contract_precision<fp32>, transpose_lhs_hint = false} : vector<1000x16xf32>, vector<16x128xf32>, vector<1000x128xf32> -> vector<1000x128xf32>
    %add3A_41 = arith.addf %add3A_35, %dot_general3A_40 : vector<1000x128xf32>
    %get3A_42 = arith.constant 0 : index
    %get3A_43 = arith.constant 0 : index
    %get3A_44 = vector.load %arg7[%get3A_42, %get3A_43] : memref<1x128xf32, #tpu.memory_space<vmem>>, vector<1x128xf32>
    %mul3A_45 = vector.broadcast %slice3A_24 : vector<1000x1xf32> to vector<1000x128xf32>
    %mul3A_46 = vector.broadcast %get3A_44 : vector<1x128xf32> to vector<1000x128xf32>
    %mul3A_47 = arith.mulf %mul3A_45, %mul3A_46 : vector<1000x128xf32>
    %add3A_48 = arith.addf %add3A_41, %mul3A_47 : vector<1000x128xf32>
    %convert_element_type3A_49 = arith.truncf %add3A_48 : vector<1000x128xf32> to vector<1000x128xbf16>
    %convert_element_type3A_50 = arith.extf %convert_element_type3A_49 : vector<1000x128xbf16> to vector<1000x128xf32>
    %get3A_51 = arith.constant 0 : index
    %get3A_52 = arith.constant 0 : index
    %get3A_53 = vector.load %arg8[%get3A_51, %get3A_52] : memref<128x384xf32, #tpu.memory_space<vmem>>, vector<128x384xf32>
    %dot_general3A_54 = arith.constant dense<0.000000e+00> : vector<1000x384xf32>
    %dot_general3A_55 = tpu.matmul %convert_element_type3A_50, %get3A_53, %dot_general3A_54 {dimension_numbers = #tpu.dot_dimension_numbers<[1], [0], [0], [1], [0, 0, 1, 1], [], []>, precision = #tpu.contract_precision<fp32>, transpose_lhs_hint = false} : vector<1000x128xf32>, vector<128x384xf32>, vector<1000x384xf32> -> vector<1000x384xf32>
    %get3A_56 = arith.constant 0 : index
    %get3A_57 = arith.constant 0 : index
    %get3A_58 = vector.load %arg10[%get3A_56, %get3A_57] : memref<1x384xf32, #tpu.memory_space<vmem>>, vector<1x384xf32>
    %add3A_59 = vector.broadcast %get3A_58 : vector<1x384xf32> to vector<1000x384xf32>
    %add3A_60 = arith.addf %dot_general3A_55, %add3A_59 : vector<1000x384xf32>
    %get3A_61 = arith.constant 0 : index
    %get3A_62 = arith.constant 0 : index
    %get3A_63 = vector.load %arg9[%get3A_61, %get3A_62] : memref<128x384xf32, #tpu.memory_space<vmem>>, vector<128x384xf32>
    %dot_general3A_64 = arith.constant dense<0.000000e+00> : vector<1000x384xf32>
    %dot_general3A_65 = tpu.matmul %convert_element_type3A_2, %get3A_63, %dot_general3A_64 {dimension_numbers = #tpu.dot_dimension_numbers<[1], [0], [0], [1], [0, 0, 1, 1], [], []>, precision = #tpu.contract_precision<fp32>, transpose_lhs_hint = false} : vector<1000x128xf32>, vector<128x384xf32>, vector<1000x384xf32> -> vector<1000x384xf32>
    %get3A_66 = arith.constant 0 : index
    %get3A_67 = arith.constant 0 : index
    %get3A_68 = vector.load %arg11[%get3A_66, %get3A_67] : memref<1x384xf32, #tpu.memory_space<vmem>>, vector<1x384xf32>
    %add3A_69 = vector.broadcast %get3A_68 : vector<1x384xf32> to vector<1000x384xf32>
    %add3A_70 = arith.addf %dot_general3A_65, %add3A_69 : vector<1000x384xf32>
    %slice3A_71 = vector.extract_strided_slice %add3A_60 {offsets = [0, 0], sizes = [1000, 128], strides = [1, 1]} : vector<1000x384xf32> to vector<1000x128xf32>
    %slice3A_72 = vector.extract_strided_slice %add3A_70 {offsets = [0, 0], sizes = [1000, 128], strides = [1, 1]} : vector<1000x384xf32> to vector<1000x128xf32>
    %add3A_73 = arith.addf %slice3A_71, %slice3A_72 : vector<1000x128xf32>
    %logistic3A = arith.negf %add3A_73 : vector<1000x128xf32>
    %logistic3A_74 = math.exp %logistic3A : vector<1000x128xf32>
    %logistic3A_75 = arith.constant 1.000000e+00 : f32
    %logistic3A_76 = vector.broadcast %logistic3A_75 : f32 to vector<1000x128xf32>
    %logistic3A_77 = arith.addf %logistic3A_76, %logistic3A_74 : vector<1000x128xf32>
    %logistic3A_78 = arith.divf %logistic3A_76, %logistic3A_77 : vector<1000x128xf32>
    %slice3A_79 = vector.extract_strided_slice %add3A_60 {offsets = [0, 128], sizes = [1000, 128], strides = [1, 1]} : vector<1000x384xf32> to vector<1000x128xf32>
    %slice3A_80 = vector.extract_strided_slice %add3A_70 {offsets = [0, 128], sizes = [1000, 128], strides = [1, 1]} : vector<1000x384xf32> to vector<1000x128xf32>
    %add3A_81 = arith.addf %slice3A_79, %slice3A_80 : vector<1000x128xf32>
    %logistic3A_82 = arith.negf %add3A_81 : vector<1000x128xf32>
    %logistic3A_83 = math.exp %logistic3A_82 : vector<1000x128xf32>
    %logistic3A_84 = arith.constant 1.000000e+00 : f32
    %logistic3A_85 = vector.broadcast %logistic3A_84 : f32 to vector<1000x128xf32>
    %logistic3A_86 = arith.addf %logistic3A_85, %logistic3A_83 : vector<1000x128xf32>
    %logistic3A_87 = arith.divf %logistic3A_85, %logistic3A_86 : vector<1000x128xf32>
    %slice3A_88 = vector.extract_strided_slice %add3A_60 {offsets = [0, 256], sizes = [1000, 128], strides = [1, 1]} : vector<1000x384xf32> to vector<1000x128xf32>
    %slice3A_89 = vector.extract_strided_slice %add3A_70 {offsets = [0, 256], sizes = [1000, 128], strides = [1, 1]} : vector<1000x384xf32> to vector<1000x128xf32>
    %mul3A_90 = arith.mulf %logistic3A_78, %slice3A_89 : vector<1000x128xf32>
    %add3A_91 = arith.addf %slice3A_88, %mul3A_90 : vector<1000x128xf32>
    %tanh3A = math.tanh %add3A_91 : vector<1000x128xf32>
    %sub3A = arith.constant 1.000000e+00 : f32
    %sub3A_92 = vector.broadcast %sub3A : f32 to vector<1000x128xf32>
    %sub3A_93 = arith.subf %sub3A_92, %logistic3A_87 : vector<1000x128xf32>
    %mul3A_94 = arith.mulf %sub3A_93, %tanh3A : vector<1000x128xf32>
    %mul3A_95 = arith.mulf %logistic3A_87, %get3A_1 : vector<1000x128xf32>
    %add3A_96 = arith.addf %mul3A_94, %mul3A_95 : vector<1000x128xf32>
    %swap3A = arith.constant 0 : index
    %swap3A_97 = arith.constant 0 : index
    %swap3A_98 = vector.load %arg12[%swap3A, %swap3A_97] : memref<1000x128xf32, #tpu.memory_space<vmem>>, vector<1000x128xf32>
    tpu.vector_store %arg12[%swap3A, %swap3A_97], %add3A_96 {strides = array<i32>} : memref<1000x128xf32, #tpu.memory_space<vmem>>, vector<1000x128xf32>,
    return
  }
  func.func @transform_0(%arg0: i32) -> (i32, i32) {
    %c0_i32 = arith.constant 0 : i32
    %c0_i32_0 = arith.constant 0 : i32
    return %arg0, %c0_i32 : i32, i32
  }
  func.func @transform_1(%arg0: i32) -> (i32, i32, i32) {
    %c0_i32 = arith.constant 0 : i32
    %c0_i32_0 = arith.constant 0 : i32
    %c0_i32_1 = arith.constant 0 : i32
    return %c0_i32, %arg0, %c0_i32_0 : i32, i32, i32
  }
  func.func @transform_2(%arg0: i32) -> (i32, i32, i32) {
    %c0_i32 = arith.constant 0 : i32
    %c0_i32_0 = arith.constant 0 : i32
    %c0_i32_1 = arith.constant 0 : i32
    return %c0_i32, %arg0, %c0_i32_0 : i32, i32, i32
  }
  func.func @transform_3(%arg0: i32) -> (i32, i32) {
    %c0_i32 = arith.constant 0 : i32
    %c0_i32_0 = arith.constant 0 : i32
    %c0_i32_1 = arith.constant 0 : i32
    return %c0_i32, %c0_i32_0 : i32, i32
  }
  func.func @transform_4(%arg0: i32) -> (i32, i32) {
    %c0_i32 = arith.constant 0 : i32
    %c0_i32_0 = arith.constant 0 : i32
    %c0_i32_1 = arith.constant 0 : i32
    return %c0_i32, %c0_i32_0 : i32, i32
  }
  func.func @transform_5(%arg0: i32) -> (i32, i32) {
    %c0_i32 = arith.constant 0 : i32
    %c0_i32_0 = arith.constant 0 : i32
    %c0_i32_1 = arith.constant 0 : i32
    return %c0_i32, %c0_i32_0 : i32, i32
  }
  func.func @transform_6(%arg0: i32) -> (i32, i32) {
    %c0_i32 = arith.constant 0 : i32
    %c0_i32_0 = arith.constant 0 : i32
    %c0_i32_1 = arith.constant 0 : i32
    return %c0_i32, %c0_i32_0 : i32, i32
  }
  func.func @transform_7(%arg0: i32) -> (i32, i32) {
    %c0_i32 = arith.constant 0 : i32
    %c0_i32_0 = arith.constant 0 : i32
    %c0_i32_1 = arith.constant 0 : i32
    return %c0_i32, %c0_i32_0 : i32, i32
  }
  func.func @transform_8(%arg0: i32) -> (i32, i32) {
    %c0_i32 = arith.constant 0 : i32
    %c0_i32_0 = arith.constant 0 : i32
    %c0_i32_1 = arith.constant 0 : i32
    return %c0_i32, %c0_i32_0 : i32, i32
  }
  func.func @transform_9(%arg0: i32) -> (i32, i32) {
    %c0_i32 = arith.constant 0 : i32
    %c0_i32_0 = arith.constant 0 : i32
    %c0_i32_1 = arith.constant 0 : i32
    return %c0_i32, %c0_i32_0 : i32, i32
  }
  func.func @transform_10(%arg0: i32) -> (i32, i32) {
    %c0_i32 = arith.constant 0 : i32
    %c0_i32_0 = arith.constant 0 : i32
    %c0_i32_1 = arith.constant 0 : i32
    return %c0_i32, %c0_i32_0 : i32, i32
  }
  func.func @transform_11(%arg0: i32) -> (i32, i32) {
    %c0_i32 = arith.constant 0 : i32
    %c0_i32_0 = arith.constant 0 : i32
    return %arg0, %c0_i32 : i32, i32
  }
}

module attributes {stable_mosaic.version = 14 : i64} {
  func.func @_tc_body(%arg0: i32, %arg1: memref<1000x128xf32, #tpu.memory_space<vmem>>, %arg2: memref<2x1000x128xf32, #tpu.memory_space<vmem>>, %arg3: memref<2x1000x128xf32, #tpu.memory_space<vmem>>, %arg4: memref<128x128xf32, #tpu.memory_space<vmem>>, %arg5: memref<128x128xf32, #tpu.memory_space<vmem>>, %arg6: memref<16x128xf32, #tpu.memory_space<vmem>>, %arg7: memref<1x128xf32, #tpu.memory_space<vmem>>, %arg8: memref<128x384xf32, #tpu.memory_space<vmem>>, %arg9: memref<128x384xf32, #tpu.memory_space<vmem>>, %arg10: memref<1x384xf32, #tpu.memory_space<vmem>>, %arg11: memref<1x384xf32, #tpu.memory_space<vmem>>, %arg12: memref<1000x128xf32, #tpu.memory_space<vmem>>) attributes {dimension_semantics = [#tpu.dimension_semantics<arbitrary>], iteration_bounds = array<i64: 10>, scalar_prefetch = 0 : i64, scratch_operands = 0 : i64, tpu.core_type = #tpu.core_type<tc>, window_params = [{transform_indices = @transform_0, window_bounds = array<i64: 1000, 128>}, {transform_indices = @transform_1, window_bounds = array<i64: 2, 1000, 128>}, {transform_indices = @transform_2, window_bounds = array<i64: 2, 1000, 128>}, {pipeline_mode = #tpu.pipeline_mode<synchronous>, transform_indices = @transform_3, window_bounds = array<i64: 128, 128>}, {pipeline_mode = #tpu.pipeline_mode<synchronous>, transform_indices = @transform_4, window_bounds = array<i64: 128, 128>}, {pipeline_mode = #tpu.pipeline_mode<synchronous>, transform_indices = @transform_5, window_bounds = array<i64: 16, 128>}, {pipeline_mode = #tpu.pipeline_mode<synchronous>, transform_indices = @transform_6, window_bounds = array<i64: 1, 128>}, {pipeline_mode = #tpu.pipeline_mode<synchronous>, transform_indices = @transform_7, window_bounds = array<i64: 128, 384>}, {pipeline_mode = #tpu.pipeline_mode<synchronous>, transform_indices = @transform_8, window_bounds = array<i64: 128, 384>}, {pipeline_mode = #tpu.pipeline_mode<synchronous>, transform_indices = @transform_9, window_bounds = array<i64: 1, 384>}, {pipeline_mode = #tpu.pipeline_mode<synchronous>, transform_indices = @transform_10, window_bounds = array<i64: 1, 384>}, {transform_indices = @transform_11, window_bounds = array<i64: 1000, 128>}]} {
    %get3A = arith.constant 0 : index
    %get3A_0 = arith.constant 0 : index
    %get3A_1 = vector.load %arg1[%get3A, %get3A_0] : memref<1000x128xf32, #tpu.memory_space<vmem>>, vector<1000x128xf32>
    %convert_element_type3A = arith.truncf %get3A_1 : vector<1000x128xf32> to vector<1000x128xbf16>
    %convert_element_type3A_2 = arith.extf %convert_element_type3A : vector<1000x128xbf16> to vector<1000x128xf32>
    %get3A_3 = arith.constant 0 : index
    %get3A_4 = arith.constant 0 : index
    %get3A_5 = arith.constant 0 : index
    %get3A_6 = vector.load %arg2[%get3A_3, %get3A_4, %get3A_5] : memref<2x1000x128xf32, #tpu.memory_space<vmem>>, vector<1x1000x128xf32>
    %get3A_7 = vector.shape_cast %get3A_6 : vector<1x1000x128xf32> to vector<1000x128xf32>
    %get3A_8 = arith.constant 1 : index
    %get3A_9 = arith.constant 0 : index
    %get3A_10 = arith.constant 0 : index
    %get3A_11 = vector.load %arg2[%get3A_8, %get3A_9, %get3A_10] : memref<2x1000x128xf32, #tpu.memory_space<vmem>>, vector<1x1000x128xf32>
    %get3A_12 = vector.shape_cast %get3A_11 : vector<1x1000x128xf32> to vector<1000x128xf32>
    %add3A = arith.addf %get3A_7, %get3A_12 : vector<1000x128xf32>
    %get3A_13 = arith.constant 0 : index
    %get3A_14 = arith.constant 0 : index
    %get3A_15 = arith.constant 0 : index
    %get3A_16 = vector.load %arg3[%get3A_13, %get3A_14, %get3A_15] : memref<2x1000x128xf32, #tpu.memory_space<vmem>>, vector<1x1000x128xf32>
    %get3A_17 = vector.shape_cast %get3A_16 : vector<1x1000x128xf32> to vector<1000x128xf32>
    %get3A_18 = arith.constant 1 : index
    %get3A_19 = arith.constant 0 : index
    %get3A_20 = arith.constant 0 : index
    %get3A_21 = vector.load %arg3[%get3A_18, %get3A_19, %get3A_20] : memref<2x1000x128xf32, #tpu.memory_space<vmem>>, vector<1x1000x128xf32>
    %get3A_22 = vector.shape_cast %get3A_21 : vector<1x1000x128xf32> to vector<1000x128xf32>
    %add3A_23 = arith.addf %get3A_17, %get3A_22 : vector<1000x128xf32>
    %slice3A = vector.extract_strided_slice %add3A_23 {offsets = [0, 0], sizes = [1000, 16], strides = [1, 1]} : vector<1000x128xf32> to vector<1000x16xf32>
    %slice3A_24 = vector.extract_strided_slice %add3A_23 {offsets = [0, 16], sizes = [1000, 1], strides = [1, 1]} : vector<1000x128xf32> to vector<1000x1xf32>
    %get3A_25 = arith.constant 0 : index
    %get3A_26 = arith.constant 0 : index
    %get3A_27 = vector.load %arg4[%get3A_25, %get3A_26] : memref<128x128xf32, #tpu.memory_space<vmem>>, vector<128x128xf32>
    %dot_general3A = arith.constant dense<0.000000e+00> : vector<1000x128xf32>
    %dot_general3A_28 = tpu.matmul %add3A, %get3A_27, %dot_general3A {dimension_numbers = #tpu.dot_dimension_numbers<[1], [0], [0], [1], [0, 0, 1, 1], [], []>, precision = #tpu.contract_precision<fp32>, transpose_lhs_hint = false} : vector<1000x128xf32>, vector<128x128xf32>, vector<1000x128xf32> -> vector<1000x128xf32>
    %mul3A = vector.broadcast %slice3A_24 : vector<1000x1xf32> to vector<1000x128xf32>
    %mul3A_29 = arith.mulf %mul3A, %convert_element_type3A_2 : vector<1000x128xf32>
    %get3A_30 = arith.constant 0 : index
    %get3A_31 = arith.constant 0 : index
    %get3A_32 = vector.load %arg5[%get3A_30, %get3A_31] : memref<128x128xf32, #tpu.memory_space<vmem>>, vector<128x128xf32>
    %dot_general3A_33 = arith.constant dense<0.000000e+00> : vector<1000x128xf32>
    %dot_general3A_34 = tpu.matmul %mul3A_29, %get3A_32, %dot_general3A_33 {dimension_numbers = #tpu.dot_dimension_numbers<[1], [0], [0], [1], [0, 0, 1, 1], [], []>, precision = #tpu.contract_precision<fp32>, transpose_lhs_hint = false} : vector<1000x128xf32>, vector<128x128xf32>, vector<1000x128xf32> -> vector<1000x128xf32>
    %add3A_35 = arith.addf %dot_general3A_28, %dot_general3A_34 : vector<1000x128xf32>
    %get3A_36 = arith.constant 0 : index
    %get3A_37 = arith.constant 0 : index
    %get3A_38 = vector.load %arg6[%get3A_36, %get3A_37] : memref<16x128xf32, #tpu.memory_space<vmem>>, vector<16x128xf32>
    %dot_general3A_39 = arith.constant dense<0.000000e+00> : vector<1000x128xf32>
    %dot_general3A_40 = tpu.matmul %slice3A, %get3A_38, %dot_general3A_39 {dimension_numbers = #tpu.dot_dimension_numbers<[1], [0], [0], [1], [0, 0, 1, 1], [], []>, precision = #tpu.contract_precision<fp32>, transpose_lhs_hint = false} : vector<1000x16xf32>, vector<16x128xf32>, vector<1000x128xf32> -> vector<1000x128xf32>
    %add3A_41 = arith.addf %add3A_35, %dot_general3A_40 : vector<1000x128xf32>
    %get3A_42 = arith.constant 0 : index
    %get3A_43 = arith.constant 0 : index
    %get3A_44 = vector.load %arg7[%get3A_42, %get3A_43] : memref<1x128xf32, #tpu.memory_space<vmem>>, vector<1x128xf32>
    %mul3A_45 = vector.broadcast %slice3A_24 : vector<1000x1xf32> to vector<1000x128xf32>
    %mul3A_46 = vector.broadcast %get3A_44 : vector<1x128xf32> to vector<1000x128xf32>
    %mul3A_47 = arith.mulf %mul3A_45, %mul3A_46 : vector<1000x128xf32>
    %add3A_48 = arith.addf %add3A_41, %mul3A_47 : vector<1000x128xf32>
    %convert_element_type3A_49 = arith.truncf %add3A_48 : vector<1000x128xf32> to vector<1000x128xbf16>
    %convert_element_type3A_50 = arith.extf %convert_element_type3A_49 : vector<1000x128xbf16> to vector<1000x128xf32>
    %get3A_51 = arith.constant 0 : index
    %get3A_52 = arith.constant 0 : index
    %get3A_53 = vector.load %arg8[%get3A_51, %get3A_52] : memref<128x384xf32, #tpu.memory_space<vmem>>, vector<128x384xf32>
    %dot_general3A_54 = arith.constant dense<0.000000e+00> : vector<1000x384xf32>
    %dot_general3A_55 = tpu.matmul %convert_element_type3A_50, %get3A_53, %dot_general3A_54 {dimension_numbers = #tpu.dot_dimension_numbers<[1], [0], [0], [1], [0, 0, 1, 1], [], []>, precision = #tpu.contract_precision<fp32>, transpose_lhs_hint = false} : vector<1000x128xf32>, vector<128x384xf32>, vector<1000x384xf32> -> vector<1000x384xf32>
    %get3A_56 = arith.constant 0 : index
    %get3A_57 = arith.constant 0 : index
    %get3A_58 = vector.load %arg10[%get3A_56, %get3A_57] : memref<1x384xf32, #tpu.memory_space<vmem>>, vector<1x384xf32>
    %add3A_59 = vector.broadcast %get3A_58 : vector<1x384xf32> to vector<1000x384xf32>
    %add3A_60 = arith.addf %dot_general3A_55, %add3A_59 : vector<1000x384xf32>
    %get3A_61 = arith.constant 0 : index
    %get3A_62 = arith.constant 0 : index
    %get3A_63 = vector.load %arg9[%get3A_61, %get3A_62] : memref<128x384xf32, #tpu.memory_space<vmem>>, vector<128x384xf32>
    %dot_general3A_64 = arith.constant dense<0.000000e+00> : vector<1000x384xf32>
    %dot_general3A_65 = tpu.matmul %convert_element_type3A_2, %get3A_63, %dot_general3A_64 {dimension_numbers = #tpu.dot_dimension_numbers<[1], [0], [0], [1], [0, 0, 1, 1], [], []>, precision = #tpu.contract_precision<fp32>, transpose_lhs_hint = false} : vector<1000x128xf32>, vector<128x384xf32>, vector<1000x384xf32> -> vector<1000x384xf32>
    %get3A_66 = arith.constant 0 : index
    %get3A_67 = arith.constant 0 : index
    %get3A_68 = vector.load %arg11[%get3A_66, %get3A_67] : memref<1x384xf32, #tpu.memory_space<vmem>>, vector<1x384xf32>
    %add3A_69 = vector.broadcast %get3A_68 : vector<1x384xf32> to vector<1000x384xf32>
    %add3A_70 = arith.addf %dot_general3A_65, %add3A_69 : vector<1000x384xf32>
    %slice3A_71 = vector.extract_strided_slice %add3A_60 {offsets = [0, 0], sizes = [1000, 128], strides = [1, 1]} : vector<1000x384xf32> to vector<1000x128xf32>
    %slice3A_72 = vector.extract_strided_slice %add3A_70 {offsets = [0, 0], sizes = [1000, 128], strides = [1, 1]} : vector<1000x384xf32> to vector<1000x128xf32>
    %add3A_73 = arith.addf %slice3A_71, %slice3A_72 : vector<1000x128xf32>
    %logistic3A = arith.negf %add3A_73 : vector<1000x128xf32>
    %logistic3A_74 = math.exp %logistic3A : vector<1000x128xf32>
    %logistic3A_75 = arith.constant 1.000000e+00 : f32
    %logistic3A_76 = vector.broadcast %logistic3A_75 : f32 to vector<1000x128xf32>
    %logistic3A_77 = arith.addf %logistic3A_76, %logistic3A_74 : vector<1000x128xf32>
    %logistic3A_78 = arith.divf %logistic3A_76, %logistic3A_77 : vector<1000x128xf32>
    %slice3A_79 = vector.extract_strided_slice %add3A_60 {offsets = [0, 128], sizes = [1000, 128], strides = [1, 1]} : vector<1000x384xf32> to vector<1000x128xf32>
    %slice3A_80 = vector.extract_strided_slice %add3A_70 {offsets = [0, 128], sizes = [1000, 128], strides = [1, 1]} : vector<1000x384xf32> to vector<1000x128xf32>
    %add3A_81 = arith.addf %slice3A_79, %slice3A_80 : vector<1000x128xf32>
    %logistic3A_82 = arith.negf %add3A_81 : vector<1000x128xf32>
    %logistic3A_83 = math.exp %logistic3A_82 : vector<1000x128xf32>
    %logistic3A_84 = arith.constant 1.000000e+00 : f32
    %logistic3A_85 = vector.broadcast %logistic3A_84 : f32 to vector<1000x128xf32>
    %logistic3A_86 = arith.addf %logistic3A_85, %logistic3A_83 : vector<1000x128xf32>
    %logistic3A_87 = arith.divf %logistic3A_85, %logistic3A_86 : vector<1000x128xf32>
    %slice3A_88 = vector.extract_strided_slice %add3A_60 {offsets = [0, 256], sizes = [1000, 128], strides = [1, 1]} : vector<1000x384xf32> to vector<1000x128xf32>
    %slice3A_89 = vector.extract_strided_slice %add3A_70 {offsets = [0, 256], sizes = [1000, 128], strides = [1, 1]} : vector<1000x384xf32> to vector<1000x128xf32>
    %mul3A_90 = arith.mulf %logistic3A_78, %slice3A_89 : vector<1000x128xf32>
    %add3A_91 = arith.addf %slice3A_88, %mul3A_90 : vector<1000x128xf32>
    %tanh3A = math.tanh %add3A_91 : vector<1000x128xf32>
    %sub3A = arith.constant 1.000000e+00 : f32
    %sub3A_92 = vector.broadcast %sub3A : f32 to vector<1000x128xf32>
    %sub3A_93 = arith.subf %sub3A_92, %logistic3A_87 : vector<1000x128xf32>
    %mul3A_94 = arith.mulf %sub3A_93, %tanh3A : vector<1000x128xf32>
    %mul3A_95 = arith.mulf %logistic3A_87, %get3A_1 : vector<1000x128xf32>
    %add3A_96 = arith.addf %mul3A_94, %mul3A_95 : vector<1000x128xf32>
    %swap3A = arith.constant 0 : index
    %swap3A_97 = arith.constant 0 : index
    %swap3A_98 = vector.load %arg12[%swap3A, %swap3A_97] : memref<1000x128xf32, #tpu.memory_space<vmem>>, vector<1000x128xf32>
    tpu.vector_store %arg12[%swap3A, %swap3A_97], %add3A_96 {strides = array<i32>} : memref<1000x128xf32, #tpu.memory_space<vmem>>, vector<1000x128xf32>,
    return
  }
  func.func @transform_0(%arg0: i32) -> (i32, i32) {
    %c0_i32 = arith.constant 0 : i32
    %c0_i32_0 = arith.constant 0 : i32
    return %arg0, %c0_i32 : i32, i32
  }
  func.func @transform_1(%arg0: i32) -> (i32, i32, i32) {
    %c0_i32 = arith.constant 0 : i32
    %c0_i32_0 = arith.constant 0 : i32
    %c0_i32_1 = arith.constant 0 : i32
    return %c0_i32, %arg0, %c0_i32_0 : i32, i32, i32
  }
  func.func @transform_2(%arg0: i32) -> (i32, i32, i32) {
    %c0_i32 = arith.constant 0 : i32
    %c0_i32_0 = arith.constant 0 : i32
    %c0_i32_1 = arith.constant 0 : i32
    return %c0_i32, %arg0, %c0_i32_0 : i32, i32, i32
  }
  func.func @transform_3(%arg0: i32) -> (i32, i32) {
    %c0_i32 = arith.constant 0 : i32
    %c0_i32_0 = arith.constant 0 : i32
    %c0_i32_1 = arith.constant 0 : i32
    return %c0_i32, %c0_i32_0 : i32, i32
  }
  func.func @transform_4(%arg0: i32) -> (i32, i32) {
    %c0_i32 = arith.constant 0 : i32
    %c0_i32_0 = arith.constant 0 : i32
    %c0_i32_1 = arith.constant 0 : i32
    return %c0_i32, %c0_i32_0 : i32, i32
  }
  func.func @transform_5(%arg0: i32) -> (i32, i32) {
    %c0_i32 = arith.constant 0 : i32
    %c0_i32_0 = arith.constant 0 : i32
    %c0_i32_1 = arith.constant 0 : i32
    return %c0_i32, %c0_i32_0 : i32, i32
  }
  func.func @transform_6(%arg0: i32) -> (i32, i32) {
    %c0_i32 = arith.constant 0 : i32
    %c0_i32_0 = arith.constant 0 : i32
    %c0_i32_1 = arith.constant 0 : i32
    return %c0_i32, %c0_i32_0 : i32, i32
  }
  func.func @transform_7(%arg0: i32) -> (i32, i32) {
    %c0_i32 = arith.constant 0 : i32
    %c0_i32_0 = arith.constant 0 : i32
    %c0_i32_1 = arith.constant 0 : i32
    return %c0_i32, %c0_i32_0 : i32, i32
  }
  func.func @transform_8(%arg0: i32) -> (i32, i32) {
    %c0_i32 = arith.constant 0 : i32
    %c0_i32_0 = arith.constant 0 : i32
    %c0_i32_1 = arith.constant 0 : i32
    return %c0_i32, %c0_i32_0 : i32, i32
  }
  func.func @transform_9(%arg0: i32) -> (i32, i32) {
    %c0_i32 = arith.constant 0 : i32
    %c0_i32_0 = arith.constant 0 : i32
    %c0_i32_1 = arith.constant 0 : i32
    return %c0_i32, %c0_i32_0 : i32, i32
  }
  func.func @transform_10(%arg0: i32) -> (i32, i32) {
    %c0_i32 = arith.constant 0 : i32
    %c0_i32_0 = arith.constant 0 : i32
    %c0_i32_1 = arith.constant 0 : i32
    return %c0_i32, %c0_i32_0 : i32, i32
  }
  func.func @transform_11(%arg0: i32) -> (i32, i32) {
    %c0_i32 = arith.constant 0 : i32
    %c0_i32_0 = arith.constant 0 : i32
    return %arg0, %c0_i32 : i32, i32
  }
}

</mosaic_0001>

<sc_bundles>
// kernel: kernel.10.cloned.1.call-start
scs
__scs_entry_jumppad:
0x0: {  	(pc) =	sbr.rel $0x88, $3  }
0x1: {  	(tag) =	ssettag $0x0;
	lr =	simm.s32 $0x1  }
0x2: {  	[smem:$0x3F98] =	sst lr;
	_ =	strace $0xD0000000  }
0x3: {  	_ = 	snop  }
0x4: {  	_ = 	snop  }
0x5: {  	_ = 	snop  }
0x6: {  	_ = 	snop  }
0x7: {  	_ = 	snop  }
__scs_overlays_trampoline_lowered:
0x8: {  	[smem:$0x3FA7] =	sst s0  }
0x9: {  	[smem:$0x3FA8] =	sst s1  }
0xa: {  	[smem:$0x3FA9] =	sst s2  }
0xb: {  	[smem:$0x3FAA] =	sst s3  }
0xc: {  	[smem:$0x3FAB] =	sst s4  }
0xd: {  	[smem:$0x3FAC] =	sst s5  }
0xe: {  	[smem:$0x3FAD] =	sst s6  }
0xf: {  	[smem:$0x3FAE] =	sst s7  }
0x10: {  	[smem:$0x3FAF] =	sst s8  }
0x11: {  	[smem:$0x3FB0] =	sst s9;
	s0 =	simm.s32 @!p0 $0x0  }
0x12: {  	s1 =	sld [smem:$0x3F96];
	s0 =	simm.s32 @p0 $0x1  }
0x13: {  	[smem:$0x3FB1] =	sst s0;
	s0 =	simm.s32 @!p1 $0x0  }
0x14: {  	s2 =	sld [smem:$0x3F95];
	s0 =	simm.s32 @p1 $0x1  }
0x15: {  	[smem:$0x3FB2] =	sst s0;
	s0 =	simm.s32 @!p2 $0x0  }
0x16: {  	s3 =	sld [smem:$0x3FDB];
	s0 =	simm.s32 @p2 $0x1  }
0x17: {  	s4 =	simm.s32 $0x1BF5;
	[smem:$0x3FB4] =	sst s0  }
0x18: {  	s0 =	sld [smem:$0x3F97];
	_ =	swait.ge [sflag:s4], $0x0  }
0x19: {  	s7 =	sld [smem:$0x3F98]  }
0x1a: {  	s8 =	sadd.s32 $0xFFFFE003, lr  }
0x1b: {  	s9 =	sadd.s32 $0xFFFFFEF7, lr;
	s5 =	simm.s32 $0xFFFFFFFF;
	p2 =	slt.u32 s8, $0xFFFFF086  }
0x1c: {  	p1 =	slt.u32 s9, $0xF7A;
	s5 =	simm.s32 @!p2 $0x0  }
0x1d: {  	s5 =	simm.s32 @p1 $0x1;
	p0 =	seq.s32 s7, s2  }
0x1e: {  	s7 =	smul.u32 @!p0 $0xF7A, s2;
	p2 =	seq.s32 @!p0 s5, $0x0  }
0x1f: {  	s9 =	smul.u32 $0xF7A, s1;
	s8 =	simm.s32 @!p0 $0x1BF5;
	p2 =	por !p2, p0  }
0x20: {  	[sflag:s8] =	ssyncset.s32 @!p0 $0xFFFFF086;
	s6 =	sadd.s32 @!p0 s3, s7;
	s7 =	simm.s32 @!p0 $0x108  }
0x21: {  	s3 =	sadd.s32 s3, s9;
	s6 =	sadd.s32 @!p0 $0x88, s6;
	s7 =	simm.s32 @p2 $0x1082  }
0x22: {  	[simem:s7], [sflag:s8] =	dma.local @!p0 [hbm:s6], $0xF7A  }
0x23: {  	s9 =	sor.u32 $0xD0000000, s2;
	s6 =	simm.s32 $0x108;
	_ =	swait.ge @!p0 [sflag:s8], $0x0  }
0x24: {  	s3 =	sadd.s32 $0x88, s3;
	s6 =	simm.s32 @!p1 $0x1082;
	[sflag:s4] =	ssyncset.s32 $0xFFFFF086  }
0x25: {  	[simem:s6], [sflag:s4] =	dma.local [hbm:s3], $0xF7A  }
0x26: {  	[smem:$0x3F98] =	sst s1;
	(tag) =	ssettag s2;
	_ =	strace s9  }
0x27: {  	s1 =	sld [smem:$0x3FA8]  }
0x28: {  	s2 =	sld [smem:$0x3FA9]  }
0x29: {  	s4 =	sld [smem:$0x3FAB]  }
0x2a: {  	p0 =	seq.s32 s5, $0x0;
	s5 =	sld [smem:$0x3FAC]  }
0x2b: {  	s6 =	sld [smem:$0x3FAD]  }
0x2c: {  	s7 =	sld [smem:$0x3FAE]  }
0x2d: {  	s3 =	simm.s32 $0x108;
	s8 =	sld [smem:$0x3FAF]  }
0x2e: {  	s3 =	simm.s32 @!p0 $0x1082;
	s9 =	sld [smem:$0x3FB0]  }
0x2f: {  	lr =	sadd.s32 s0, s3;
	s0 =	sld [smem:$0x3FA7]  }
0x30: {  	s3 =	sld [smem:$0x3FAA]  }
0x31: {  	[smem:$0x3FB3] =	sst s10  }
0x32: {  	s10 =	sld [smem:$0x3FB1];
	_ =	sdelay $0x3  }
0x33: {  	p0 =	seq.s32 s10, $0x1;
	s10 =	sld [smem:$0x3FB3];
	_ =	sdelay $0x3  }
0x34: {  	[smem:$0x3FB3] =	sst s10  }
0x35: {  	s10 =	sld [smem:$0x3FB2];
	_ =	sdelay $0x3  }
0x36: {  	p1 =	seq.s32 s10, $0x1;
	s10 =	sld [smem:$0x3FB3];
	_ =	sdelay $0x3  }
0x37: {  	[smem:$0x3FB3] =	sst s10  }
0x38: {  	s10 =	sld [smem:$0x3FB4]  }
0x39: {  	_ = 	snop;
	(pc) =	sbr.ind lr, $3  }
0x3a: {  	_ = 	snop  }
0x3b: {  	_ = 	snop  }
0x3c: {  	p2 =	seq.s32 s10, $0x1;
	s10 =	sld [smem:$0x3FB3]  }
0x3d: {  	_ =	shalt  }
0x3e: {  	_ =	shalt  }
0x3f: {  	_ =	shalt  }
0x40: {  	_ =	shalt  }
0x41: {  	_ =	shalt  }
0x42: {  	_ =	shalt  }
0x43: {  	_ =	shalt  }
0x44: {  	_ =	shalt  }
0x45: {  	_ =	shalt  }
0x46: {  	_ =	shalt  }
0x47: {  	_ =	shalt  }
0x48: {  	_ =	shalt  }
0x49: {  	_ =	shalt  }
0x4a: {  	_ =	shalt  }
0x4b: {  	_ =	shalt  }
0x4c: {  	_ =	shalt  }
0x4d: {  	_ =	shalt  }
0x4e: {  	_ =	shalt  }
0x4f: {  	_ =	shalt  }
0x50: {  	_ =	shalt  }
0x51: {  	_ =	shalt  }
0x52: {  	_ =	shalt  }
0x53: {  	_ =	shalt  }
0x54: {  	_ =	shalt  }
0x55: {  	_ =	shalt  }
0x56: {  	_ =	shalt  }
0x57: {  	_ =	shalt  }
0x58: {  	_ =	shalt  }
0x59: {  	_ =	shalt  }
0x5a: {  	_ =	shalt  }
0x5b: {  	_ =	shalt  }
0x5c: {  	_ =	shalt  }
0x5d: {  	_ =	shalt  }
0x5e: {  	_ =	shalt  }
0x5f: {  	_ =	shalt  }
0x60: {  	_ =	shalt  }
0x61: {  	_ =	shalt  }
0x62: {  	_ =	shalt  }
0x63: {  	_ =	shalt  }
0x64: {  	_ =	shalt  }
0x65: {  	_ =	shalt  }
0x66: {  	_ =	shalt  }
0x67: {  	_ =	shalt  }
0x68: {  	_ =	shalt  }
0x69: {  	_ =	shalt  }
0x6a: {  	_ =	shalt  }
0x6b: {  	_ =	shalt  }
0x6c: {  	_ =	shalt  }
0x6d: {  	_ =	shalt  }
0x6e: {  	_ =	shalt  }
0x6f: {  	_ =	shalt  }
0x70: {  	_ =	shalt  }
0x71: {  	_ =	shalt  }
0x72: {  	_ =	shalt  }
0x73: {  	_ =	shalt  }
0x74: {  	_ =	shalt  }
0x75: {  	_ =	shalt  }
0x76: {  	_ =	shalt  }
0x77: {  	_ =	shalt  }
0x78: {  	_ =	shalt  }
0x79: {  	_ =	shalt  }
0x7a: {  	_ =	shalt  }
0x7b: {  	_ =	shalt  }
0x7c: {  	_ =	shalt  }
0x7d: {  	_ =	shalt  }
0x7e: {  	_ =	shalt  }
0x7f: {  	_ =	shalt  }
0x80: {  	_ =	shalt  }
0x81: {  	_ =	shalt  }
0x82: {  	_ =	shalt  }
0x83: {  	_ =	shalt  }
0x84: {  	_ =	shalt  }
0x85: {  	_ =	shalt  }
0x86: {  	_ =	shalt  }
0x87: {  	_ =	shalt  }
.Lfunc_end0:
.L_simem_size_0:
called_computation.1_lowered:
.L_overlay_start_0:
0x88: {  	s2 =	sld [smem:$0x3FD9]  }
0x89: {  	s3 =	sld [smem:$0x3FFE];
	_ =	sdelay $0x1  }
0x8a: {  	s1 =	srdreg.scid  }
0x8b: {  	s0 =	sand.u32 $0x1, s1  }
0x8c: {  	s17 =	sshll.u32 s0, $0xA;
	s2 =	sadd.s32 s3, s2  }
0x8d: {  	s2 =	sadd.s32 s2, s17  }
0x8e: {  	[smem:$0x3FBF] =	sst s2  }
0x8f: {  	_ = 	snop  }
0x90: {  	s2 =	sld [smem:$0x3FD0];
	(tm) =	ssettm $0x1  }
0x91: {  	s18 =	sld [smem:$0x3FFB];
	_ =	sdelay $0x3  }
0x92: {  	_ =	strace s18  }
0x93: {  	s3 =	sld [smem:$0x3FFC];
	_ =	sdelay $0x3  }
0x94: {  	_ =	strace s3  }
0x95: {  	s3 =	sld [smem:$0x3FFD];
	_ =	sdelay $0x3  }
0x96: {  	_ =	strace s3  }
0x97: {  	_ =	strace $0x8FFFFFFF  }
0x98: {  	s19 =	sld [smem:$0x3FDB];
	_ =	sdelay $0x1  }
0x99: {  	s4 =	simm.s32 $_scs_section_size  }
0x9a: {  	s5 =	simm.s32 $_size__tile_overlayer_lowered;
	s6 =	simm.s32 $_tile_overlayer_lowered  }
0x9b: {  	s22 =	simm.s32 $0x1BFF;
	s21 =	sshll.u32 s6, $0x1;
	s3 =	sadd.s32 s4, s19  }
0x9c: {  	s7 =	simm.s32 $0x0;
	s20 =	sshll.u32 s5, $0x1;
	s5 =	sadd.s32 s21, s3  }
0x9d: {  	[timem:s7], [sflag:s22] =	dma.local [hbm:s5], s20  }
0x9e: {  	_ =	swait.ge [sflag:s22], s20  }
0x9f: {  	s4 =	ssub.s32 $0x0, s20;
	[sflag:s22] =	ssyncset.done $0x0  }
0xa0: {  	[sflag:s22] =	ssyncadd.s32 s4;
	_ =	sdelay $0x1  }
0xa1: {  	s23 =	simm.s32 $0x1B8B  }
0xa2: {  	_ =	swait.ge [sflag:s23], $0x1  }
0xa3: {  	[sflag:s23] =	ssyncset.done $0x0  }
0xa4: {  	s25 =	simm.s32 $0x1B8E;
	s24 =	sld [smem:$0x3FFE];
	[sflag:s23] =	ssyncadd.s32 $0xFFFFFFFF  }
0xa5: {  	s26 =	simm.s32 $execute0_lowered;
	[smem:$0x3FD2] =	sst s25  }
0xa6: {  	s5 =	sshll.u32 s26, $0x1;
	_ =	strace $0x80000046;
	[dreg:$0x1] =	wrdreg $0xFFFFFFFF  }
0xa7: {  	s28 =	simm.s32 $_size_execute0_lowered;
	s3 =	sadd.s32 s3, s5;
	[dreg:$0x0] =	wrdreg $0x0  }
0xa8: {  	s5 =	sshll.u32 s28, $0x1;
	[dreg:$0x2] =	wrdreg s3  }
0xa9: {  	[dreg:$0x3] =	wrdreg s5  }
0xaa: {  	[dreg:$0x4] =	wrdreg $0xC0  }
0xab: {  	_ =	task [dreg:s7], $0x5FFFF  }
0xac: {  	[dreg:$0x1] =	wrdreg $0xFFFFFFFF  }
0xad: {  	[dreg:$0x0] =	wrdreg $0x60  }
0xae: {  	[dreg:$0x2] =	wrdreg s2  }
0xaf: {  	[dreg:$0x3] =	wrdreg s24  }
0xb0: {  	[dreg:$0x4] =	wrdreg $0x0  }
0xb1: {  	[dreg:$0x5] =	wrdreg $0xA  }
0xb2: {  	_ =	task.clear_ibuf [dreg:s7], $0x6FFFF;
	_ =	strace $0x90000046  }
0xb3: {  	s29 =	simm.s32 $0xA;
	_ =	strace $0x80000048  }
0xb4: {  	_ =	swait.ge [sflag:s29], $0x1  }
0xb5: {  	[sflag:s29] =	ssyncadd.s32 $0xFFFFFFFF  }
0xb6: {  	_ =	strace $0x90000048  }
0xb7: {  	_ =	sfence  }
0xb8: {  	s30 =	sld [smem:$0x0];
	_ =	sdelay $0x2  }
0xb9: {  	s31 =	sshll.u32 s1, $0xD;
	s1 =	sshrl.u32 s1, $0x2  }
0xba: {  	s3 =	sand.u32 $0x4000, s31;
	s1 =	sadd.s32 s1, s30  }
0xbb: {  	s0 =	sor.u32 s3, s0;
	s1 =	sshll.u32 s1, $0x11  }
0xbc: {  	s0 =	sor.u32 s1, s0  }
0xbd: {  	s0 =	sadd.s32 $0x8F2B, s0  }
0xbe: {  	[sflag:s0] =	ssyncadd.remote.s32 $0x1  }
0xbf: {  	_ =	sfence.sel $0xFFFF  }
0xc0: {  	[dreg:$0x0] =	wrdreg $0xFFFFFFFF;
	(pc) =	sbr.abs _section_cstart, $3  }
0xc1: {  	[dreg:$0x1] =	wrdreg $0xFFFFFFFF  }
0xc2: {  	_ =	task.clear_ibuf [dreg:s7], $0x2FFFF;
	_ =	strace $0x9FFFFFFF  }
0xc3: {  	(tm) =	ssettm $0x7FFFFFFF  }
tec
execute0_lowered:
.L_overlay_start_1:
0x0: {  	(tag) =	ssettag $0x1  }
0x1: {  	s1 =	rddreg [dreg:$0x0]  }
0x2: {  	s0 =	rddreg [dreg:$0x1]  }
0x3: {  	s2 =	rddreg [dreg:$0x2]  }
0x4: {  	s3 =	simm.s32 $0x0;
	s4 =	srdreg.scid;
	s21 =	stileid.u32  }
0x5: {  	s18 =	simm.s32 $0x3;
	s20 =	simm.s32 $0x13880;
	s28 =	simm.s32 $0x16280  }
0x6: {  	s29 =	simm.s32 $0x2;
	s30 =	simm.s32 $0x0;
	[smem:$0x7FF] =	sst s3  }
0x7: {  	s8 =	sand.u32 $0x1, s4;
	s5 =	sadd.s32 $0xC200, s0;
	s10 =	smul.u32 $0x4E000, s21  }
0x8: {  	s6 =	sadd.s32 $0x2400, s0;
	s22 =	smul.u32 $0x13800, s21;
	s23 =	sshll.u32 s21, $0x6  }
0x9: {  	s15 =	smul.u32 $0x2710, s21;
	s19 =	sadd.s32 $0x138000, s2;
	p0 =	sne.s32 s21, $0xF  }
0xa: {  	_ =	strace $0x80000047;
	s7 =	sshll.u32 s8, $0x4;
	s13 =	smul.u32 $0x138800, s8  }
0xb: {  	s11 =	ssub.s32 $0x2, s8;
	s24 =	smul.u32 $0x27100, s8;
	s8 =	sor.u32 $0x1C03, s23  }
0xc: {  	s19 =	sshrl.u32 @!p0 s19, $0x3;
	s23 =	simm.s32 $0x13A80;
	s9 =	sor.u32 s21, s7  }
0xd: {  	s7 =	sadd.s32 $0x16000, s0;
	s0 =	sadd.s32 $0x18800, s0;
	s12 =	sshrl.u32 s11, $0x1  }
0xe: {  	s10 =	sshrl.u32 s10, $0x2;
	s21 =	simm.s32 $0x13900;
	s9 =	smul.u32 $0x2710, s9  }
0xf: {  	s14 =	ssub.s32 s11, s12;
	s17 =	sadd.s32 s10, s2;
	s11 =	sadd.s32 s22, s13  }
0x10: {  	s13 =	sshrl.u32 s13, $0x3;
	s15 =	sadd.s32 s15, s24;
	s22 =	simm.s32 $0x50  }
0x11: {  	s24 =	simm.s32 $0x13980;
	s11 =	sshrl.u32 s11, $0x3;
	s26 =	sadd.s32 s0, s13  }
0x12: {  	s31 =	sadd.s32 $0x50, s15;
	s13 =	smax.u32 s14, $0x1;
	s17 =	sshrl.u32 s17, $0x3  }
0x13: {  	s25 =	sshrl.u32 s9, $0x3;
	s11 =	sadd.s32 s0, s11;
	s12 =	sadd.s32 $0x27000, s26  }
0x14: {  	s16 =	sshrl.u32 s31, $0x3;
	s0 =	sadd.s32 $0xA0, s15;
	s26 =	simm.s32 $0x1  }
0x15: {  	s9 =	sadd.s32 s5, s25;
	s10 =	sadd.s32 s6, s25;
	s15 =	sadd.s32 s16, s6  }
0x16: {  	s16 =	sadd.s32 s16, s5;
	s25 =	simm.s32 $0x13A00;
	[dreg:$0x4] =	wrdreg s9  }
.LBB2_1:
0x17: {  	[spmem:s17], [sflag:s8] =	dma.local [hbm:s7], $0x2700  }
0x18: {  	_ =	swait.ge [sflag:s18], $0x2700  }
0x19: {  	[sflag:s18] =	ssyncset.done $0x0  }
0x1a: {  	s14 =	simm.s32 @!p0 $0x3;
	[sflag:s18] =	ssyncadd.s32 $0xFFFFD900  }
0x1b: {  	[spmem:s19], [sflag:s8] =	dma.local @!p0 [hbm:s7], $0x100  }
0x1c: {  	_ =	swait.ge @!p0 [sflag:s14], $0x100  }
0x1d: {  	[sflag:s14] =	ssyncset.done @!p0 $0x0  }
0x1e: {  	[sflag:s14] =	ssyncadd.s32 @!p0 $0xFFFFFF00  }
0x1f: {  	[bflag:$0x0] =	sbarrier.arrive $0xFFFF  }
0x20: {  	s4 =	rddreg [dreg:$0x4]  }
0x21: {  	[tilespmem:s20], [sflag:$0x3] =	stream.linear.gather [hbm4b:s4+s3], $0x50, $0x38;
	[tilespmem:$0x18A80] =	vst v63  }
0x22: {  	_ =	swait.ge [sflag:s18], $0x50  }
0x23: {  	[sflag:s18] =	ssyncset.done $0x0  }
0x24: {  	[sflag:s18] =	ssyncadd.s32 $0xFFFFFFB0  }
0x25: {  	[tilespmem:s21], [sflag:$0x3] =	stream.linear.gather [hbm4b:s10+s3], $0x50, $0x38;
	[tilespmem:$0x18A80] =	vst v63  }
0x26: {  	_ =	swait.ge [sflag:s18], $0x50  }
0x27: {  	[sflag:s18] =	ssyncset.done $0x0  }
0x28: {  	[sflag:s18] =	ssyncadd.s32 $0xFFFFFFB0  }
0x29: {  	[tilespmem:s23], [sflag:$0x1] =	stream.indirect.gather [hbm4b:s1+s22], $0x80, s20, s22, $0xb8;
	[tilespmem:$0x18A80] =	vst v63  }
0x2a: {  	s9 =	sadd.s32 $0x0, s16  }
0x2b: {  	[tilespmem:s24], [sflag:$0x3] =	stream.linear.gather [hbm4b:s9+s3], $0x50, $0x38;
	[tilespmem:$0x18A80] =	vst v63  }
0x2c: {  	_ =	swait.ge [sflag:s18], $0x50  }
0x2d: {  	[sflag:s18] =	ssyncset.done $0x0  }
0x2e: {  	s4 =	sadd.s32 $0x0, s15;
	[sflag:s18] =	ssyncadd.s32 $0xFFFFFFB0  }
0x2f: {  	[tilespmem:s25], [sflag:$0x3] =	stream.linear.gather [hbm4b:s4+s3], $0x50, $0x38;
	[tilespmem:$0x18A80] =	vst v63  }
0x30: {  	_ =	swait.ge [sflag:s18], $0x50  }
0x31: {  	[sflag:s18] =	ssyncset.done $0x0  }
0x32: {  	[sflag:s18] =	ssyncadd.s32 $0xFFFFFFB0  }
0x33: {  	_ =	swait.ge [sflag:s26], $0x2800  }
0x34: {  	[sflag:s26] =	ssyncset.done $0x0  }
0x35: {  	[sflag:s26] =	ssyncadd.s32 $0xFFFFD800  }
0x36: {  	[tilespmem:s28], [sflag:$0x2] =	stream.indirect.gather [hbm4b:s1+s22], $0x80, s24, s22, $0xb8;
	[tilespmem:$0x18A80] =	vst v63  }
0x37: {  	_ = 	snop  }
0x38: {  	[spmem:s2] =	stream.indirect.scatter.add.f32 [tilespmem:s23], [sflag:$0x3], $0x80, s21, s22, $0xb8;
	[tilespmem:$0x18A80] =	vst v63  }
0x39: {  	_ =	swait.ge [sflag:s18], $0x2800  }
0x3a: {  	s9 =	sshrl.u32 s0, $0x3;
	[sflag:s18] =	ssyncset.done $0x0  }
0x3b: {  	s31 =	sadd.s32 s5, s9;
	[sflag:s18] =	ssyncadd.s32 $0xFFFFD800  }
0x3c: {  	[tilespmem:s20], [sflag:$0x3] =	stream.linear.gather [hbm4b:s31+s3], $0x50, $0x38;
	[tilespmem:$0x18A80] =	vst v63  }
0x3d: {  	_ =	swait.ge [sflag:s18], $0x50  }
0x3e: {  	[sflag:s18] =	ssyncset.done $0x0  }
0x3f: {  	s14 =	sadd.s32 s6, s9;
	[sflag:s18] =	ssyncadd.s32 $0xFFFFFFB0  }
0x40: {  	[tilespmem:s21], [sflag:$0x3] =	stream.linear.gather [hbm4b:s14+s3], $0x50, $0x38;
	[tilespmem:$0x18A80] =	vst v63  }
0x41: {  	_ =	swait.ge [sflag:s18], $0x50  }
0x42: {  	[sflag:s18] =	ssyncset.done $0x0  }
0x43: {  	[sflag:s18] =	ssyncadd.s32 $0xFFFFFFB0  }
0x44: {  	_ =	swait.ge [sflag:s29], $0x2800  }
0x45: {  	[sflag:s29] =	ssyncset.done $0x0  }
0x46: {  	[sflag:s29] =	ssyncadd.s32 $0xFFFFD800  }
0x47: {  	[tilespmem:s23], [sflag:$0x1] =	stream.indirect.gather [hbm4b:s1+s22], $0x80, s20, s22, $0xb8;
	[tilespmem:$0x18A80] =	vst v63  }
0x48: {  	_ = 	snop  }
0x49: {  	[spmem:s2] =	stream.indirect.scatter.add.f32 [tilespmem:s28], [sflag:$0x3], $0x80, s25, s22, $0xb8;
	[tilespmem:$0x18A80] =	vst v63  }
0x4a: {  	_ =	swait.ge [sflag:s18], $0x2800  }
0x4b: {  	s31 =	simm.s32 $0x14;
	s14 =	smov.u32 s0;
	[sflag:s18] =	ssyncset.done $0x0  }
.LBB2_2:
0x4c: {  	p1 =	sne.s32 s31, $0x4C4;
	[sflag:s18] =	ssyncadd.s32 $0xFFFFD800;
	s14 =	sadd.s32 $0xA0, s14  }
0x4d: {  	s4 =	sadd.s32 s31, s16;
	s9 =	smov.u32 s31;
	s31 =	sadd.s32 $0x14, s31  }
0x4e: {  	[tilespmem:s24], [sflag:$0x3] =	stream.linear.gather [hbm4b:s4+s3], $0x50, $0x38;
	[tilespmem:$0x18A80] =	vst v63  }
0x4f: {  	_ =	swait.ge [sflag:s18], $0x50  }
0x50: {  	[sflag:s18] =	ssyncset.done $0x0  }
0x51: {  	s4 =	sadd.s32 s9, s15;
	[sflag:s18] =	ssyncadd.s32 $0xFFFFFFB0  }
0x52: {  	[tilespmem:s25], [sflag:$0x3] =	stream.linear.gather [hbm4b:s4+s3], $0x50, $0x38;
	[tilespmem:$0x18A80] =	vst v63  }
0x53: {  	_ =	swait.ge [sflag:s18], $0x50  }
0x54: {  	[sflag:s18] =	ssyncset.done $0x0  }
0x55: {  	[sflag:s18] =	ssyncadd.s32 $0xFFFFFFB0  }
0x56: {  	_ =	swait.ge [sflag:s26], $0x2800  }
0x57: {  	[sflag:s26] =	ssyncset.done $0x0  }
0x58: {  	[sflag:s26] =	ssyncadd.s32 $0xFFFFD800  }
0x59: {  	[tilespmem:s28], [sflag:$0x2] =	stream.indirect.gather [hbm4b:s1+s22], $0x80, s24, s22, $0xb8;
	[tilespmem:$0x18A80] =	vst v63  }
0x5a: {  	_ = 	snop  }
0x5b: {  	[spmem:s2] =	stream.indirect.scatter.add.f32 [tilespmem:s23], [sflag:$0x3], $0x80, s21, s22, $0xb8;
	[tilespmem:$0x18A80] =	vst v63  }
0x5c: {  	_ =	swait.ge [sflag:s18], $0x2800  }
0x5d: {  	s4 =	sshrl.u32 s14, $0x3;
	[sflag:s18] =	ssyncset.done $0x0  }
0x5e: {  	s9 =	sadd.s32 s5, s4;
	[sflag:s18] =	ssyncadd.s32 $0xFFFFD800  }
0x5f: {  	[tilespmem:s20], [sflag:$0x3] =	stream.linear.gather [hbm4b:s9+s3], $0x50, $0x38;
	[tilespmem:$0x18A80] =	vst v63  }
0x60: {  	_ =	swait.ge [sflag:s18], $0x50  }
0x61: {  	[sflag:s18] =	ssyncset.done $0x0  }
0x62: {  	s4 =	sadd.s32 s6, s4;
	[sflag:s18] =	ssyncadd.s32 $0xFFFFFFB0  }
0x63: {  	[tilespmem:s21], [sflag:$0x3] =	stream.linear.gather [hbm4b:s4+s3], $0x50, $0x38;
	[tilespmem:$0x18A80] =	vst v63  }
0x64: {  	_ =	swait.ge [sflag:s18], $0x50  }
0x65: {  	[sflag:s18] =	ssyncset.done $0x0  }
0x66: {  	[sflag:s18] =	ssyncadd.s32 $0xFFFFFFB0  }
0x67: {  	_ =	swait.ge [sflag:s29], $0x2800  }
0x68: {  	[sflag:s29] =	ssyncset.done $0x0  }
0x69: {  	[sflag:s29] =	ssyncadd.s32 $0xFFFFD800  }
0x6a: {  	[tilespmem:s23], [sflag:$0x1] =	stream.indirect.gather [hbm4b:s1+s22], $0x80, s20, s22, $0xb8;
	[tilespmem:$0x18A80] =	vst v63  }
.Ltmp0:
0x6b: {  	_ = 	snop;
	(pc) =	sbr.rel @p1 .LBB2_2-.Ltmp0, $4  }
0x6c: {  	_ = 	snop  }
0x6d: {  	[spmem:s2] =	stream.indirect.scatter.add.f32 [tilespmem:s28], [sflag:$0x3], $0x80, s25, s22, $0xb8;
	[tilespmem:$0x18A80] =	vst v63  }
0x6e: {  	_ =	swait.ge [sflag:s18], $0x2800  }
0x6f: {  	[sflag:s18] =	ssyncset.done $0x0  }
0x70: {  	[sflag:s18] =	ssyncadd.s32 $0xFFFFD800  }
0x71: {  	_ =	swait.ge [sflag:s26], $0x2800  }
0x72: {  	[sflag:s26] =	ssyncset.done $0x0  }
0x73: {  	[sflag:s26] =	ssyncadd.s32 $0xFFFFD800  }
0x74: {  	[spmem:s2] =	stream.indirect.scatter.add.f32 [tilespmem:s23], [sflag:$0x3], $0x80, s21, s22, $0xb8;
	[tilespmem:$0x18A80] =	vst v63  }
0x75: {  	_ =	swait.ge [sflag:s18], $0x2800  }
0x76: {  	[sflag:s18] =	ssyncset.done $0x0  }
0x77: {  	[sflag:s18] =	ssyncadd.s32 $0xFFFFD800  }
0x78: {  	[bflag:$0x0] =	sbarrier.arrive $0xFFFF  }
0x79: {  	[hbm:s11], [sflag:s8] =	dma.local [spmem:s17], $0x2700  }
0x7a: {  	s30 =	sadd.s32 $0x1, s30;
	_ =	swait.ge [sflag:s18], $0x2700  }
0x7b: {  	p1 =	sne.s32 s30, s13;
	[sflag:s18] =	ssyncset.done $0x0  }
.Ltmp1:
0x7c: {  	s4 =	simm.s32 @!p0 $0x3;
	[sflag:s18] =	ssyncadd.s32 $0xFFFFD900;
	(pc) =	sbr.rel @p1 .LBB2_1-.Ltmp1, $4  }
0x7d: {  	[hbm:s12], [sflag:s8] =	dma.local @!p0 [spmem:s19], $0x100  }
0x7e: {  	_ =	swait.ge @!p0 [sflag:s4], $0x100  }
0x7f: {  	[sflag:s4] =	ssyncset.done @!p0 $0x0  }
0x80: {  	[sflag:s4] =	ssyncadd.s32 @!p0 $0xFFFFFF00  }
0x81: {  	_ =	sfence.sel $0x180000  }
0x82: {  	[bflag:$0x0] =	sbarrier.arrive $0xFFFF  }
0x83: {  	_ =	strace $0x90000047  }
0x84: {  	s0 =	stileid.u32;
	[bflag:$0x2] =	sbarrier.arrive $0xFFFF  }
0x85: {  	p0 =	sne.s32 s0, $0x0;
	s0 =	rddreg [dreg:$0x3]  }
0x86: {  	s0 =	sadd.s32 @!p0 $0x100000, s0  }
0x87: {  	[sflag:s0] =	ssyncadd.tile.s32 @!p0 $0x1;
	_ =	shalt  }
.Lfunc_end2:
_tile_overlayer_lowered:
.L_overlay_start_2:
0x88: {  	(tag) =	ssettag $0x2  }
0x89: {  	s0 =	rddreg [dreg:$0x0];
	s2 =	stileid.u32  }
0x8a: {  	s1 =	rddreg [dreg:$0x1];
	p0 =	sne.s32 s2, $0x0  }
0x8b: {  	s3 =	rddreg [dreg:$0x2];
	[bflag:$0x3] =	sbarrier.arrive $0xFFFF;
	s2 =	simm.s32 @!p0 $0x1C03  }
0x8c: {  	[timem:s3], [sflag:s2] =	dma.local @!p0 [hbm:s0], s1  }
0x8d: {  	s0 =	simm.s32 @!p0 $0x3  }
0x8e: {  	_ =	swait.ge @!p0 [sflag:s0], s1  }
0x8f: {  	s1 =	ssub.s32 @!p0 $0x0, s1;
	[sflag:s0] =	ssyncset.done @!p0 $0x0  }
0x90: {  	[sflag:s0] =	ssyncadd.s32 @!p0 s1  }
0x91: {  	[bflag:$0x3] =	sbarrier.arrive $0xFFFF  }
0x92: {  	_ =	shalt  }

// kernel: kernel.13.cloned.1.call-start
scs
__scs_entry_jumppad:
0x0: {  	(pc) =	sbr.rel $0x88, $3  }
0x1: {  	(tag) =	ssettag $0x0;
	lr =	simm.s32 $0x1  }
0x2: {  	[smem:$0x3F98] =	sst lr;
	_ =	strace $0xD0000000  }
0x3: {  	_ = 	snop  }
0x4: {  	_ = 	snop  }
0x5: {  	_ = 	snop  }
0x6: {  	_ = 	snop  }
0x7: {  	_ = 	snop  }
__scs_overlays_trampoline_lowered:
0x8: {  	[smem:$0x3FA7] =	sst s0  }
0x9: {  	[smem:$0x3FA8] =	sst s1  }
0xa: {  	[smem:$0x3FA9] =	sst s2  }
0xb: {  	[smem:$0x3FAA] =	sst s3  }
0xc: {  	[smem:$0x3FAB] =	sst s4  }
0xd: {  	[smem:$0x3FAC] =	sst s5  }
0xe: {  	[smem:$0x3FAD] =	sst s6  }
0xf: {  	[smem:$0x3FAE] =	sst s7  }
0x10: {  	[smem:$0x3FAF] =	sst s8  }
0x11: {  	[smem:$0x3FB0] =	sst s9;
	s0 =	simm.s32 @!p0 $0x0  }
0x12: {  	s1 =	sld [smem:$0x3F96];
	s0 =	simm.s32 @p0 $0x1  }
0x13: {  	[smem:$0x3FB1] =	sst s0;
	s0 =	simm.s32 @!p1 $0x0  }
0x14: {  	s2 =	sld [smem:$0x3F95];
	s0 =	simm.s32 @p1 $0x1  }
0x15: {  	[smem:$0x3FB2] =	sst s0;
	s0 =	simm.s32 @!p2 $0x0  }
0x16: {  	s3 =	sld [smem:$0x3FDB];
	s0 =	simm.s32 @p2 $0x1  }
0x17: {  	s4 =	simm.s32 $0x1BF5;
	[smem:$0x3FB4] =	sst s0  }
0x18: {  	s0 =	sld [smem:$0x3F97];
	_ =	swait.ge [sflag:s4], $0x0  }
0x19: {  	s7 =	sld [smem:$0x3F98]  }
0x1a: {  	s8 =	sadd.s32 $0xFFFFE003, lr  }
0x1b: {  	s9 =	sadd.s32 $0xFFFFFEF7, lr;
	s5 =	simm.s32 $0xFFFFFFFF;
	p2 =	slt.u32 s8, $0xFFFFF086  }
0x1c: {  	p1 =	slt.u32 s9, $0xF7A;
	s5 =	simm.s32 @!p2 $0x0  }
0x1d: {  	s5 =	simm.s32 @p1 $0x1;
	p0 =	seq.s32 s7, s2  }
0x1e: {  	s7 =	smul.u32 @!p0 $0xF7A, s2;
	p2 =	seq.s32 @!p0 s5, $0x0  }
0x1f: {  	s9 =	smul.u32 $0xF7A, s1;
	s8 =	simm.s32 @!p0 $0x1BF5;
	p2 =	por !p2, p0  }
0x20: {  	[sflag:s8] =	ssyncset.s32 @!p0 $0xFFFFF086;
	s6 =	sadd.s32 @!p0 s3, s7;
	s7 =	simm.s32 @!p0 $0x108  }
0x21: {  	s3 =	sadd.s32 s3, s9;
	s6 =	sadd.s32 @!p0 $0x88, s6;
	s7 =	simm.s32 @p2 $0x1082  }
0x22: {  	[simem:s7], [sflag:s8] =	dma.local @!p0 [hbm:s6], $0xF7A  }
0x23: {  	s9 =	sor.u32 $0xD0000000, s2;
	s6 =	simm.s32 $0x108;
	_ =	swait.ge @!p0 [sflag:s8], $0x0  }
0x24: {  	s3 =	sadd.s32 $0x88, s3;
	s6 =	simm.s32 @!p1 $0x1082;
	[sflag:s4] =	ssyncset.s32 $0xFFFFF086  }
0x25: {  	[simem:s6], [sflag:s4] =	dma.local [hbm:s3], $0xF7A  }
0x26: {  	[smem:$0x3F98] =	sst s1;
	(tag) =	ssettag s2;
	_ =	strace s9  }
0x27: {  	s1 =	sld [smem:$0x3FA8]  }
0x28: {  	s2 =	sld [smem:$0x3FA9]  }
0x29: {  	s4 =	sld [smem:$0x3FAB]  }
0x2a: {  	p0 =	seq.s32 s5, $0x0;
	s5 =	sld [smem:$0x3FAC]  }
0x2b: {  	s6 =	sld [smem:$0x3FAD]  }
0x2c: {  	s7 =	sld [smem:$0x3FAE]  }
0x2d: {  	s3 =	simm.s32 $0x108;
	s8 =	sld [smem:$0x3FAF]  }
0x2e: {  	s3 =	simm.s32 @!p0 $0x1082;
	s9 =	sld [smem:$0x3FB0]  }
0x2f: {  	lr =	sadd.s32 s0, s3;
	s0 =	sld [smem:$0x3FA7]  }
0x30: {  	s3 =	sld [smem:$0x3FAA]  }
0x31: {  	[smem:$0x3FB3] =	sst s10  }
0x32: {  	s10 =	sld [smem:$0x3FB1];
	_ =	sdelay $0x3  }
0x33: {  	p0 =	seq.s32 s10, $0x1;
	s10 =	sld [smem:$0x3FB3];
	_ =	sdelay $0x3  }
0x34: {  	[smem:$0x3FB3] =	sst s10  }
0x35: {  	s10 =	sld [smem:$0x3FB2];
	_ =	sdelay $0x3  }
0x36: {  	p1 =	seq.s32 s10, $0x1;
	s10 =	sld [smem:$0x3FB3];
	_ =	sdelay $0x3  }
0x37: {  	[smem:$0x3FB3] =	sst s10  }
0x38: {  	s10 =	sld [smem:$0x3FB4]  }
0x39: {  	_ = 	snop;
	(pc) =	sbr.ind lr, $3  }
0x3a: {  	_ = 	snop  }
0x3b: {  	_ = 	snop  }
0x3c: {  	p2 =	seq.s32 s10, $0x1;
	s10 =	sld [smem:$0x3FB3]  }
0x3d: {  	_ =	shalt  }
0x3e: {  	_ =	shalt  }
0x3f: {  	_ =	shalt  }
0x40: {  	_ =	shalt  }
0x41: {  	_ =	shalt  }
0x42: {  	_ =	shalt  }
0x43: {  	_ =	shalt  }
0x44: {  	_ =	shalt  }
0x45: {  	_ =	shalt  }
0x46: {  	_ =	shalt  }
0x47: {  	_ =	shalt  }
0x48: {  	_ =	shalt  }
0x49: {  	_ =	shalt  }
0x4a: {  	_ =	shalt  }
0x4b: {  	_ =	shalt  }
0x4c: {  	_ =	shalt  }
0x4d: {  	_ =	shalt  }
0x4e: {  	_ =	shalt  }
0x4f: {  	_ =	shalt  }
0x50: {  	_ =	shalt  }
0x51: {  	_ =	shalt  }
0x52: {  	_ =	shalt  }
0x53: {  	_ =	shalt  }
0x54: {  	_ =	shalt  }
0x55: {  	_ =	shalt  }
0x56: {  	_ =	shalt  }
0x57: {  	_ =	shalt  }
0x58: {  	_ =	shalt  }
0x59: {  	_ =	shalt  }
0x5a: {  	_ =	shalt  }
0x5b: {  	_ =	shalt  }
0x5c: {  	_ =	shalt  }
0x5d: {  	_ =	shalt  }
0x5e: {  	_ =	shalt  }
0x5f: {  	_ =	shalt  }
0x60: {  	_ =	shalt  }
0x61: {  	_ =	shalt  }
0x62: {  	_ =	shalt  }
0x63: {  	_ =	shalt  }
0x64: {  	_ =	shalt  }
0x65: {  	_ =	shalt  }
0x66: {  	_ =	shalt  }
0x67: {  	_ =	shalt  }
0x68: {  	_ =	shalt  }
0x69: {  	_ =	shalt  }
0x6a: {  	_ =	shalt  }
0x6b: {  	_ =	shalt  }
0x6c: {  	_ =	shalt  }
0x6d: {  	_ =	shalt  }
0x6e: {  	_ =	shalt  }
0x6f: {  	_ =	shalt  }
0x70: {  	_ =	shalt  }
0x71: {  	_ =	shalt  }
0x72: {  	_ =	shalt  }
0x73: {  	_ =	shalt  }
0x74: {  	_ =	shalt  }
0x75: {  	_ =	shalt  }
0x76: {  	_ =	shalt  }
0x77: {  	_ =	shalt  }
0x78: {  	_ =	shalt  }
0x79: {  	_ =	shalt  }
0x7a: {  	_ =	shalt  }
0x7b: {  	_ =	shalt  }
0x7c: {  	_ =	shalt  }
0x7d: {  	_ =	shalt  }
0x7e: {  	_ =	shalt  }
0x7f: {  	_ =	shalt  }
0x80: {  	_ =	shalt  }
0x81: {  	_ =	shalt  }
0x82: {  	_ =	shalt  }
0x83: {  	_ =	shalt  }
0x84: {  	_ =	shalt  }
0x85: {  	_ =	shalt  }
0x86: {  	_ =	shalt  }
0x87: {  	_ =	shalt  }
.Lfunc_end0:
.L_simem_size_0:
called_computation.2_lowered:
.L_overlay_start_0:
0x88: {  	s2 =	sld [smem:$0x3FD9]  }
0x89: {  	s3 =	sld [smem:$0x3FFE];
	_ =	sdelay $0x1  }
0x8a: {  	s1 =	srdreg.scid  }
0x8b: {  	s0 =	sand.u32 $0x1, s1  }
0x8c: {  	s17 =	sshll.u32 s0, $0xA;
	s2 =	sadd.s32 s3, s2  }
0x8d: {  	s2 =	sadd.s32 s2, s17  }
0x8e: {  	[smem:$0x3FBF] =	sst s2  }
0x8f: {  	_ = 	snop  }
0x90: {  	s2 =	sld [smem:$0x3FD0];
	(tm) =	ssettm $0x1  }
0x91: {  	s18 =	sld [smem:$0x3FFB];
	_ =	sdelay $0x3  }
0x92: {  	_ =	strace s18  }
0x93: {  	s3 =	sld [smem:$0x3FFC];
	_ =	sdelay $0x3  }
0x94: {  	_ =	strace s3  }
0x95: {  	s3 =	sld [smem:$0x3FFD];
	_ =	sdelay $0x3  }
0x96: {  	_ =	strace s3  }
0x97: {  	_ =	strace $0x8FFFFFFF  }
0x98: {  	s19 =	sld [smem:$0x3FDB];
	_ =	sdelay $0x1  }
0x99: {  	s4 =	simm.s32 $_scs_section_size  }
0x9a: {  	s5 =	simm.s32 $_size__tile_overlayer_lowered;
	s6 =	simm.s32 $_tile_overlayer_lowered  }
0x9b: {  	s22 =	simm.s32 $0x1BFF;
	s21 =	sshll.u32 s6, $0x1;
	s3 =	sadd.s32 s4, s19  }
0x9c: {  	s7 =	simm.s32 $0x0;
	s20 =	sshll.u32 s5, $0x1;
	s5 =	sadd.s32 s21, s3  }
0x9d: {  	[timem:s7], [sflag:s22] =	dma.local [hbm:s5], s20  }
0x9e: {  	_ =	swait.ge [sflag:s22], s20  }
0x9f: {  	s4 =	ssub.s32 $0x0, s20;
	[sflag:s22] =	ssyncset.done $0x0  }
0xa0: {  	[sflag:s22] =	ssyncadd.s32 s4;
	_ =	sdelay $0x1  }
0xa1: {  	s23 =	simm.s32 $0x1B8B  }
0xa2: {  	_ =	swait.ge [sflag:s23], $0x1  }
0xa3: {  	[sflag:s23] =	ssyncset.done $0x0  }
0xa4: {  	s25 =	simm.s32 $0x1B8E;
	s24 =	sld [smem:$0x3FFE];
	[sflag:s23] =	ssyncadd.s32 $0xFFFFFFFF  }
0xa5: {  	s26 =	simm.s32 $execute0_lowered;
	[smem:$0x3FD2] =	sst s25  }
0xa6: {  	s5 =	sshll.u32 s26, $0x1;
	_ =	strace $0x8000004C;
	[dreg:$0x1] =	wrdreg $0xFFFFFFFF  }
0xa7: {  	s28 =	simm.s32 $_size_execute0_lowered;
	s3 =	sadd.s32 s3, s5;
	[dreg:$0x0] =	wrdreg $0x0  }
0xa8: {  	s5 =	sshll.u32 s28, $0x1;
	[dreg:$0x2] =	wrdreg s3  }
0xa9: {  	[dreg:$0x3] =	wrdreg s5  }
0xaa: {  	[dreg:$0x4] =	wrdreg $0xC0  }
0xab: {  	_ =	task [dreg:s7], $0x5FFFF  }
0xac: {  	[dreg:$0x1] =	wrdreg $0xFFFFFFFF  }
0xad: {  	[dreg:$0x0] =	wrdreg $0x60  }
0xae: {  	[dreg:$0x2] =	wrdreg s2  }
0xaf: {  	[dreg:$0x3] =	wrdreg s24  }
0xb0: {  	[dreg:$0x4] =	wrdreg $0x0  }
0xb1: {  	[dreg:$0x5] =	wrdreg $0x9  }
0xb2: {  	_ =	task.clear_ibuf [dreg:s7], $0x6FFFF;
	_ =	strace $0x9000004C  }
0xb3: {  	s29 =	simm.s32 $0x9;
	_ =	strace $0x8000004E  }
0xb4: {  	_ =	swait.ge [sflag:s29], $0x1  }
0xb5: {  	[sflag:s29] =	ssyncadd.s32 $0xFFFFFFFF  }
0xb6: {  	_ =	strace $0x9000004E  }
0xb7: {  	_ =	sfence  }
0xb8: {  	s30 =	sld [smem:$0x0];
	_ =	sdelay $0x2  }
0xb9: {  	s31 =	sshll.u32 s1, $0xD;
	s1 =	sshrl.u32 s1, $0x2  }
0xba: {  	s3 =	sand.u32 $0x4000, s31;
	s1 =	sadd.s32 s1, s30  }
0xbb: {  	s0 =	sor.u32 s3, s0;
	s1 =	sshll.u32 s1, $0x11  }
0xbc: {  	s0 =	sor.u32 s1, s0  }
0xbd: {  	s0 =	sadd.s32 $0x8F2B, s0  }
0xbe: {  	[sflag:s0] =	ssyncadd.remote.s32 $0x1  }
0xbf: {  	_ =	sfence.sel $0xFFFF  }
0xc0: {  	[dreg:$0x0] =	wrdreg $0xFFFFFFFF;
	(pc) =	sbr.abs _section_cstart, $3  }
0xc1: {  	[dreg:$0x1] =	wrdreg $0xFFFFFFFF  }
0xc2: {  	_ =	task.clear_ibuf [dreg:s7], $0x2FFFF;
	_ =	strace $0x9FFFFFFF  }
0xc3: {  	(tm) =	ssettm $0x7FFFFFFF  }
tec
execute0_lowered:
.L_overlay_start_1:
0x0: {  	(tag) =	ssettag $0x1  }
0x1: {  	s1 =	rddreg [dreg:$0x0]  }
0x2: {  	s0 =	rddreg [dreg:$0x1]  }
0x3: {  	s2 =	rddreg [dreg:$0x2]  }
0x4: {  	s3 =	simm.s32 $0x0;
	s4 =	srdreg.scid;
	s21 =	stileid.u32  }
0x5: {  	s18 =	simm.s32 $0x3;
	s20 =	simm.s32 $0x13880;
	s28 =	simm.s32 $0x16280  }
0x6: {  	s29 =	simm.s32 $0x2;
	s30 =	simm.s32 $0x0;
	[smem:$0x7FF] =	sst s3  }
0x7: {  	s8 =	sand.u32 $0x1, s4;
	s5 =	sadd.s32 $0xC200, s0;
	s10 =	smul.u32 $0x4E000, s21  }
0x8: {  	s6 =	sadd.s32 $0x2400, s0;
	s22 =	smul.u32 $0x13800, s21;
	s23 =	sshll.u32 s21, $0x6  }
0x9: {  	s15 =	smul.u32 $0x2710, s21;
	s19 =	sadd.s32 $0x138000, s2;
	p0 =	sne.s32 s21, $0xF  }
0xa: {  	_ =	strace $0x8000004D;
	s7 =	sshll.u32 s8, $0x4;
	s13 =	smul.u32 $0x138800, s8  }
0xb: {  	s11 =	ssub.s32 $0x2, s8;
	s24 =	smul.u32 $0x27100, s8;
	s8 =	sor.u32 $0x1C03, s23  }
0xc: {  	s19 =	sshrl.u32 @!p0 s19, $0x3;
	s23 =	simm.s32 $0x13A80;
	s9 =	sor.u32 s21, s7  }
0xd: {  	s7 =	sadd.s32 $0x16000, s0;
	s0 =	sadd.s32 $0x18800, s0;
	s12 =	sshrl.u32 s11, $0x1  }
0xe: {  	s10 =	sshrl.u32 s10, $0x2;
	s21 =	simm.s32 $0x13900;
	s9 =	smul.u32 $0x2710, s9  }
0xf: {  	s14 =	ssub.s32 s11, s12;
	s17 =	sadd.s32 s10, s2;
	s11 =	sadd.s32 s22, s13  }
0x10: {  	s13 =	sshrl.u32 s13, $0x3;
	s15 =	sadd.s32 s15, s24;
	s22 =	simm.s32 $0x50  }
0x11: {  	s24 =	simm.s32 $0x13980;
	s11 =	sshrl.u32 s11, $0x3;
	s26 =	sadd.s32 s0, s13  }
0x12: {  	s31 =	sadd.s32 $0x50, s15;
	s13 =	smax.u32 s14, $0x1;
	s17 =	sshrl.u32 s17, $0x3  }
0x13: {  	s25 =	sshrl.u32 s9, $0x3;
	s11 =	sadd.s32 s0, s11;
	s12 =	sadd.s32 $0x27000, s26  }
0x14: {  	s16 =	sshrl.u32 s31, $0x3;
	s0 =	sadd.s32 $0xA0, s15;
	s26 =	simm.s32 $0x1  }
0x15: {  	s9 =	sadd.s32 s5, s25;
	s10 =	sadd.s32 s6, s25;
	s15 =	sadd.s32 s16, s6  }
0x16: {  	s16 =	sadd.s32 s16, s5;
	s25 =	simm.s32 $0x13A00;
	[dreg:$0x4] =	wrdreg s9  }
.LBB2_1:
0x17: {  	[spmem:s17], [sflag:s8] =	dma.local [hbm:s7], $0x2700  }
0x18: {  	_ =	swait.ge [sflag:s18], $0x2700  }
0x19: {  	[sflag:s18] =	ssyncset.done $0x0  }
0x1a: {  	s14 =	simm.s32 @!p0 $0x3;
	[sflag:s18] =	ssyncadd.s32 $0xFFFFD900  }
0x1b: {  	[spmem:s19], [sflag:s8] =	dma.local @!p0 [hbm:s7], $0x100  }
0x1c: {  	_ =	swait.ge @!p0 [sflag:s14], $0x100  }
0x1d: {  	[sflag:s14] =	ssyncset.done @!p0 $0x0  }
0x1e: {  	[sflag:s14] =	ssyncadd.s32 @!p0 $0xFFFFFF00  }
0x1f: {  	[bflag:$0x0] =	sbarrier.arrive $0xFFFF  }
0x20: {  	s4 =	rddreg [dreg:$0x4]  }
0x21: {  	[tilespmem:s20], [sflag:$0x3] =	stream.linear.gather [hbm4b:s4+s3], $0x50, $0x38;
	[tilespmem:$0x18A80] =	vst v63  }
0x22: {  	_ =	swait.ge [sflag:s18], $0x50  }
0x23: {  	[sflag:s18] =	ssyncset.done $0x0  }
0x24: {  	[sflag:s18] =	ssyncadd.s32 $0xFFFFFFB0  }
0x25: {  	[tilespmem:s21], [sflag:$0x3] =	stream.linear.gather [hbm4b:s10+s3], $0x50, $0x38;
	[tilespmem:$0x18A80] =	vst v63  }
0x26: {  	_ =	swait.ge [sflag:s18], $0x50  }
0x27: {  	[sflag:s18] =	ssyncset.done $0x0  }
0x28: {  	[sflag:s18] =	ssyncadd.s32 $0xFFFFFFB0  }
0x29: {  	[tilespmem:s23], [sflag:$0x1] =	stream.indirect.gather [hbm4b:s1+s22], $0x80, s20, s22, $0xb8;
	[tilespmem:$0x18A80] =	vst v63  }
0x2a: {  	s9 =	sadd.s32 $0x0, s16  }
0x2b: {  	[tilespmem:s24], [sflag:$0x3] =	stream.linear.gather [hbm4b:s9+s3], $0x50, $0x38;
	[tilespmem:$0x18A80] =	vst v63  }
0x2c: {  	_ =	swait.ge [sflag:s18], $0x50  }
0x2d: {  	[sflag:s18] =	ssyncset.done $0x0  }
0x2e: {  	s4 =	sadd.s32 $0x0, s15;
	[sflag:s18] =	ssyncadd.s32 $0xFFFFFFB0  }
0x2f: {  	[tilespmem:s25], [sflag:$0x3] =	stream.linear.gather [hbm4b:s4+s3], $0x50, $0x38;
	[tilespmem:$0x18A80] =	vst v63  }
0x30: {  	_ =	swait.ge [sflag:s18], $0x50  }
0x31: {  	[sflag:s18] =	ssyncset.done $0x0  }
0x32: {  	[sflag:s18] =	ssyncadd.s32 $0xFFFFFFB0  }
0x33: {  	_ =	swait.ge [sflag:s26], $0x2800  }
0x34: {  	[sflag:s26] =	ssyncset.done $0x0  }
0x35: {  	[sflag:s26] =	ssyncadd.s32 $0xFFFFD800  }
0x36: {  	[tilespmem:s28], [sflag:$0x2] =	stream.indirect.gather [hbm4b:s1+s22], $0x80, s24, s22, $0xb8;
	[tilespmem:$0x18A80] =	vst v63  }
0x37: {  	_ = 	snop  }
0x38: {  	[spmem:s2] =	stream.indirect.scatter.add.f32 [tilespmem:s23], [sflag:$0x3], $0x80, s21, s22, $0xb8;
	[tilespmem:$0x18A80] =	vst v63  }
0x39: {  	_ =	swait.ge [sflag:s18], $0x2800  }
0x3a: {  	s9 =	sshrl.u32 s0, $0x3;
	[sflag:s18] =	ssyncset.done $0x0  }
0x3b: {  	s31 =	sadd.s32 s5, s9;
	[sflag:s18] =	ssyncadd.s32 $0xFFFFD800  }
0x3c: {  	[tilespmem:s20], [sflag:$0x3] =	stream.linear.gather [hbm4b:s31+s3], $0x50, $0x38;
	[tilespmem:$0x18A80] =	vst v63  }
0x3d: {  	_ =	swait.ge [sflag:s18], $0x50  }
0x3e: {  	[sflag:s18] =	ssyncset.done $0x0  }
0x3f: {  	s14 =	sadd.s32 s6, s9;
	[sflag:s18] =	ssyncadd.s32 $0xFFFFFFB0  }
0x40: {  	[tilespmem:s21], [sflag:$0x3] =	stream.linear.gather [hbm4b:s14+s3], $0x50, $0x38;
	[tilespmem:$0x18A80] =	vst v63  }
0x41: {  	_ =	swait.ge [sflag:s18], $0x50  }
0x42: {  	[sflag:s18] =	ssyncset.done $0x0  }
0x43: {  	[sflag:s18] =	ssyncadd.s32 $0xFFFFFFB0  }
0x44: {  	_ =	swait.ge [sflag:s29], $0x2800  }
0x45: {  	[sflag:s29] =	ssyncset.done $0x0  }
0x46: {  	[sflag:s29] =	ssyncadd.s32 $0xFFFFD800  }
0x47: {  	[tilespmem:s23], [sflag:$0x1] =	stream.indirect.gather [hbm4b:s1+s22], $0x80, s20, s22, $0xb8;
	[tilespmem:$0x18A80] =	vst v63  }
0x48: {  	_ = 	snop  }
0x49: {  	[spmem:s2] =	stream.indirect.scatter.add.f32 [tilespmem:s28], [sflag:$0x3], $0x80, s25, s22, $0xb8;
	[tilespmem:$0x18A80] =	vst v63  }
0x4a: {  	_ =	swait.ge [sflag:s18], $0x2800  }
0x4b: {  	s31 =	simm.s32 $0x14;
	s14 =	smov.u32 s0;
	[sflag:s18] =	ssyncset.done $0x0  }
.LBB2_2:
0x4c: {  	p1 =	sne.s32 s31, $0x4C4;
	[sflag:s18] =	ssyncadd.s32 $0xFFFFD800;
	s14 =	sadd.s32 $0xA0, s14  }
0x4d: {  	s4 =	sadd.s32 s31, s16;
	s9 =	smov.u32 s31;
	s31 =	sadd.s32 $0x14, s31  }
0x4e: {  	[tilespmem:s24], [sflag:$0x3] =	stream.linear.gather [hbm4b:s4+s3], $0x50, $0x38;
	[tilespmem:$0x18A80] =	vst v63  }
0x4f: {  	_ =	swait.ge [sflag:s18], $0x50  }
0x50: {  	[sflag:s18] =	ssyncset.done $0x0  }
0x51: {  	s4 =	sadd.s32 s9, s15;
	[sflag:s18] =	ssyncadd.s32 $0xFFFFFFB0  }
0x52: {  	[tilespmem:s25], [sflag:$0x3] =	stream.linear.gather [hbm4b:s4+s3], $0x50, $0x38;
	[tilespmem:$0x18A80] =	vst v63  }
0x53: {  	_ =	swait.ge [sflag:s18], $0x50  }
0x54: {  	[sflag:s18] =	ssyncset.done $0x0  }
0x55: {  	[sflag:s18] =	ssyncadd.s32 $0xFFFFFFB0  }
0x56: {  	_ =	swait.ge [sflag:s26], $0x2800  }
0x57: {  	[sflag:s26] =	ssyncset.done $0x0  }
0x58: {  	[sflag:s26] =	ssyncadd.s32 $0xFFFFD800  }
0x59: {  	[tilespmem:s28], [sflag:$0x2] =	stream.indirect.gather [hbm4b:s1+s22], $0x80, s24, s22, $0xb8;
	[tilespmem:$0x18A80] =	vst v63  }
0x5a: {  	_ = 	snop  }
0x5b: {  	[spmem:s2] =	stream.indirect.scatter.add.f32 [tilespmem:s23], [sflag:$0x3], $0x80, s21, s22, $0xb8;
	[tilespmem:$0x18A80] =	vst v63  }
0x5c: {  	_ =	swait.ge [sflag:s18], $0x2800  }
0x5d: {  	s4 =	sshrl.u32 s14, $0x3;
	[sflag:s18] =	ssyncset.done $0x0  }
0x5e: {  	s9 =	sadd.s32 s5, s4;
	[sflag:s18] =	ssyncadd.s32 $0xFFFFD800  }
0x5f: {  	[tilespmem:s20], [sflag:$0x3] =	stream.linear.gather [hbm4b:s9+s3], $0x50, $0x38;
	[tilespmem:$0x18A80] =	vst v63  }
0x60: {  	_ =	swait.ge [sflag:s18], $0x50  }
0x61: {  	[sflag:s18] =	ssyncset.done $0x0  }
0x62: {  	s4 =	sadd.s32 s6, s4;
	[sflag:s18] =	ssyncadd.s32 $0xFFFFFFB0  }
0x63: {  	[tilespmem:s21], [sflag:$0x3] =	stream.linear.gather [hbm4b:s4+s3], $0x50, $0x38;
	[tilespmem:$0x18A80] =	vst v63  }
0x64: {  	_ =	swait.ge [sflag:s18], $0x50  }
0x65: {  	[sflag:s18] =	ssyncset.done $0x0  }
0x66: {  	[sflag:s18] =	ssyncadd.s32 $0xFFFFFFB0  }
0x67: {  	_ =	swait.ge [sflag:s29], $0x2800  }
0x68: {  	[sflag:s29] =	ssyncset.done $0x0  }
0x69: {  	[sflag:s29] =	ssyncadd.s32 $0xFFFFD800  }
0x6a: {  	[tilespmem:s23], [sflag:$0x1] =	stream.indirect.gather [hbm4b:s1+s22], $0x80, s20, s22, $0xb8;
	[tilespmem:$0x18A80] =	vst v63  }
.Ltmp0:
0x6b: {  	_ = 	snop;
	(pc) =	sbr.rel @p1 .LBB2_2-.Ltmp0, $4  }
0x6c: {  	_ = 	snop  }
0x6d: {  	[spmem:s2] =	stream.indirect.scatter.add.f32 [tilespmem:s28], [sflag:$0x3], $0x80, s25, s22, $0xb8;
	[tilespmem:$0x18A80] =	vst v63  }
0x6e: {  	_ =	swait.ge [sflag:s18], $0x2800  }
0x6f: {  	[sflag:s18] =	ssyncset.done $0x0  }
0x70: {  	[sflag:s18] =	ssyncadd.s32 $0xFFFFD800  }
0x71: {  	_ =	swait.ge [sflag:s26], $0x2800  }
0x72: {  	[sflag:s26] =	ssyncset.done $0x0  }
0x73: {  	[sflag:s26] =	ssyncadd.s32 $0xFFFFD800  }
0x74: {  	[spmem:s2] =	stream.indirect.scatter.add.f32 [tilespmem:s23], [sflag:$0x3], $0x80, s21, s22, $0xb8;
	[tilespmem:$0x18A80] =	vst v63  }
0x75: {  	_ =	swait.ge [sflag:s18], $0x2800  }
0x76: {  	[sflag:s18] =	ssyncset.done $0x0  }
0x77: {  	[sflag:s18] =	ssyncadd.s32 $0xFFFFD800  }
0x78: {  	[bflag:$0x0] =	sbarrier.arrive $0xFFFF  }
0x79: {  	[hbm:s11], [sflag:s8] =	dma.local [spmem:s17], $0x2700  }
0x7a: {  	s30 =	sadd.s32 $0x1, s30;
	_ =	swait.ge [sflag:s18], $0x2700  }
0x7b: {  	p1 =	sne.s32 s30, s13;
	[sflag:s18] =	ssyncset.done $0x0  }
.Ltmp1:
0x7c: {  	s4 =	simm.s32 @!p0 $0x3;
	[sflag:s18] =	ssyncadd.s32 $0xFFFFD900;
	(pc) =	sbr.rel @p1 .LBB2_1-.Ltmp1, $4  }
0x7d: {  	[hbm:s12], [sflag:s8] =	dma.local @!p0 [spmem:s19], $0x100  }
0x7e: {  	_ =	swait.ge @!p0 [sflag:s4], $0x100  }
0x7f: {  	[sflag:s4] =	ssyncset.done @!p0 $0x0  }
0x80: {  	[sflag:s4] =	ssyncadd.s32 @!p0 $0xFFFFFF00  }
0x81: {  	_ =	sfence.sel $0x180000  }
0x82: {  	[bflag:$0x0] =	sbarrier.arrive $0xFFFF  }
0x83: {  	_ =	strace $0x9000004D  }
0x84: {  	s0 =	stileid.u32;
	[bflag:$0x2] =	sbarrier.arrive $0xFFFF  }
0x85: {  	p0 =	sne.s32 s0, $0x0;
	s0 =	rddreg [dreg:$0x3]  }
0x86: {  	s0 =	sadd.s32 @!p0 $0x100000, s0  }
0x87: {  	[sflag:s0] =	ssyncadd.tile.s32 @!p0 $0x1;
	_ =	shalt  }
.Lfunc_end2:
_tile_overlayer_lowered:
.L_overlay_start_2:
0x88: {  	(tag) =	ssettag $0x2  }
0x89: {  	s0 =	rddreg [dreg:$0x0];
	s2 =	stileid.u32  }
0x8a: {  	s1 =	rddreg [dreg:$0x1];
	p0 =	sne.s32 s2, $0x0  }
0x8b: {  	s3 =	rddreg [dreg:$0x2];
	[bflag:$0x3] =	sbarrier.arrive $0xFFFF;
	s2 =	simm.s32 @!p0 $0x1C03  }
0x8c: {  	[timem:s3], [sflag:s2] =	dma.local @!p0 [hbm:s0], s1  }
0x8d: {  	s0 =	simm.s32 @!p0 $0x3  }
0x8e: {  	_ =	swait.ge @!p0 [sflag:s0], s1  }
0x8f: {  	s1 =	ssub.s32 @!p0 $0x0, s1;
	[sflag:s0] =	ssyncset.done @!p0 $0x0  }
0x90: {  	[sflag:s0] =	ssyncadd.s32 @!p0 s1  }
0x91: {  	[bflag:$0x3] =	sbarrier.arrive $0xFFFF  }
0x92: {  	_ =	shalt  }

// kernel: kernel.7.cloned.1.call-start
scs
__scs_entry_jumppad:
0x0: {  	(pc) =	sbr.rel $0x88, $3  }
0x1: {  	(tag) =	ssettag $0x0;
	lr =	simm.s32 $0x1  }
0x2: {  	[smem:$0x3F98] =	sst lr;
	_ =	strace $0xD0000000  }
0x3: {  	_ = 	snop  }
0x4: {  	_ = 	snop  }
0x5: {  	_ = 	snop  }
0x6: {  	_ = 	snop  }
0x7: {  	_ = 	snop  }
__scs_overlays_trampoline_lowered:
0x8: {  	[smem:$0x3FA7] =	sst s0  }
0x9: {  	[smem:$0x3FA8] =	sst s1  }
0xa: {  	[smem:$0x3FA9] =	sst s2  }
0xb: {  	[smem:$0x3FAA] =	sst s3  }
0xc: {  	[smem:$0x3FAB] =	sst s4  }
0xd: {  	[smem:$0x3FAC] =	sst s5  }
0xe: {  	[smem:$0x3FAD] =	sst s6  }
0xf: {  	[smem:$0x3FAE] =	sst s7  }
0x10: {  	[smem:$0x3FAF] =	sst s8  }
0x11: {  	[smem:$0x3FB0] =	sst s9;
	s0 =	simm.s32 @!p0 $0x0  }
0x12: {  	s1 =	sld [smem:$0x3F96];
	s0 =	simm.s32 @p0 $0x1  }
0x13: {  	[smem:$0x3FB1] =	sst s0;
	s0 =	simm.s32 @!p1 $0x0  }
0x14: {  	s2 =	sld [smem:$0x3F95];
	s0 =	simm.s32 @p1 $0x1  }
0x15: {  	[smem:$0x3FB2] =	sst s0;
	s0 =	simm.s32 @!p2 $0x0  }
0x16: {  	s3 =	sld [smem:$0x3FDB];
	s0 =	simm.s32 @p2 $0x1  }
0x17: {  	s4 =	simm.s32 $0x1BF5;
	[smem:$0x3FB4] =	sst s0  }
0x18: {  	s0 =	sld [smem:$0x3F97];
	_ =	swait.ge [sflag:s4], $0x0  }
0x19: {  	s7 =	sld [smem:$0x3F98]  }
0x1a: {  	s8 =	sadd.s32 $0xFFFFE003, lr  }
0x1b: {  	s9 =	sadd.s32 $0xFFFFFEF7, lr;
	s5 =	simm.s32 $0xFFFFFFFF;
	p2 =	slt.u32 s8, $0xFFFFF086  }
0x1c: {  	p1 =	slt.u32 s9, $0xF7A;
	s5 =	simm.s32 @!p2 $0x0  }
0x1d: {  	s5 =	simm.s32 @p1 $0x1;
	p0 =	seq.s32 s7, s2  }
0x1e: {  	s7 =	smul.u32 @!p0 $0xF7A, s2;
	p2 =	seq.s32 @!p0 s5, $0x0  }
0x1f: {  	s9 =	smul.u32 $0xF7A, s1;
	s8 =	simm.s32 @!p0 $0x1BF5;
	p2 =	por !p2, p0  }
0x20: {  	[sflag:s8] =	ssyncset.s32 @!p0 $0xFFFFF086;
	s6 =	sadd.s32 @!p0 s3, s7;
	s7 =	simm.s32 @!p0 $0x108  }
0x21: {  	s3 =	sadd.s32 s3, s9;
	s6 =	sadd.s32 @!p0 $0x88, s6;
	s7 =	simm.s32 @p2 $0x1082  }
0x22: {  	[simem:s7], [sflag:s8] =	dma.local @!p0 [hbm:s6], $0xF7A  }
0x23: {  	s9 =	sor.u32 $0xD0000000, s2;
	s6 =	simm.s32 $0x108;
	_ =	swait.ge @!p0 [sflag:s8], $0x0  }
0x24: {  	s3 =	sadd.s32 $0x88, s3;
	s6 =	simm.s32 @!p1 $0x1082;
	[sflag:s4] =	ssyncset.s32 $0xFFFFF086  }
0x25: {  	[simem:s6], [sflag:s4] =	dma.local [hbm:s3], $0xF7A  }
0x26: {  	[smem:$0x3F98] =	sst s1;
	(tag) =	ssettag s2;
	_ =	strace s9  }
0x27: {  	s1 =	sld [smem:$0x3FA8]  }
0x28: {  	s2 =	sld [smem:$0x3FA9]  }
0x29: {  	s4 =	sld [smem:$0x3FAB]  }
0x2a: {  	p0 =	seq.s32 s5, $0x0;
	s5 =	sld [smem:$0x3FAC]  }
0x2b: {  	s6 =	sld [smem:$0x3FAD]  }
0x2c: {  	s7 =	sld [smem:$0x3FAE]  }
0x2d: {  	s3 =	simm.s32 $0x108;
	s8 =	sld [smem:$0x3FAF]  }
0x2e: {  	s3 =	simm.s32 @!p0 $0x1082;
	s9 =	sld [smem:$0x3FB0]  }
0x2f: {  	lr =	sadd.s32 s0, s3;
	s0 =	sld [smem:$0x3FA7]  }
0x30: {  	s3 =	sld [smem:$0x3FAA]  }
0x31: {  	[smem:$0x3FB3] =	sst s10  }
0x32: {  	s10 =	sld [smem:$0x3FB1];
	_ =	sdelay $0x3  }
0x33: {  	p0 =	seq.s32 s10, $0x1;
	s10 =	sld [smem:$0x3FB3];
	_ =	sdelay $0x3  }
0x34: {  	[smem:$0x3FB3] =	sst s10  }
0x35: {  	s10 =	sld [smem:$0x3FB2];
	_ =	sdelay $0x3  }
0x36: {  	p1 =	seq.s32 s10, $0x1;
	s10 =	sld [smem:$0x3FB3];
	_ =	sdelay $0x3  }
0x37: {  	[smem:$0x3FB3] =	sst s10  }
0x38: {  	s10 =	sld [smem:$0x3FB4]  }
0x39: {  	_ = 	snop;
	(pc) =	sbr.ind lr, $3  }
0x3a: {  	_ = 	snop  }
0x3b: {  	_ = 	snop  }
0x3c: {  	p2 =	seq.s32 s10, $0x1;
	s10 =	sld [smem:$0x3FB3]  }
0x3d: {  	_ =	shalt  }
0x3e: {  	_ =	shalt  }
0x3f: {  	_ =	shalt  }
0x40: {  	_ =	shalt  }
0x41: {  	_ =	shalt  }
0x42: {  	_ =	shalt  }
0x43: {  	_ =	shalt  }
0x44: {  	_ =	shalt  }
0x45: {  	_ =	shalt  }
0x46: {  	_ =	shalt  }
0x47: {  	_ =	shalt  }
0x48: {  	_ =	shalt  }
0x49: {  	_ =	shalt  }
0x4a: {  	_ =	shalt  }
0x4b: {  	_ =	shalt  }
0x4c: {  	_ =	shalt  }
0x4d: {  	_ =	shalt  }
0x4e: {  	_ =	shalt  }
0x4f: {  	_ =	shalt  }
0x50: {  	_ =	shalt  }
0x51: {  	_ =	shalt  }
0x52: {  	_ =	shalt  }
0x53: {  	_ =	shalt  }
0x54: {  	_ =	shalt  }
0x55: {  	_ =	shalt  }
0x56: {  	_ =	shalt  }
0x57: {  	_ =	shalt  }
0x58: {  	_ =	shalt  }
0x59: {  	_ =	shalt  }
0x5a: {  	_ =	shalt  }
0x5b: {  	_ =	shalt  }
0x5c: {  	_ =	shalt  }
0x5d: {  	_ =	shalt  }
0x5e: {  	_ =	shalt  }
0x5f: {  	_ =	shalt  }
0x60: {  	_ =	shalt  }
0x61: {  	_ =	shalt  }
0x62: {  	_ =	shalt  }
0x63: {  	_ =	shalt  }
0x64: {  	_ =	shalt  }
0x65: {  	_ =	shalt  }
0x66: {  	_ =	shalt  }
0x67: {  	_ =	shalt  }
0x68: {  	_ =	shalt  }
0x69: {  	_ =	shalt  }
0x6a: {  	_ =	shalt  }
0x6b: {  	_ =	shalt  }
0x6c: {  	_ =	shalt  }
0x6d: {  	_ =	shalt  }
0x6e: {  	_ =	shalt  }
0x6f: {  	_ =	shalt  }
0x70: {  	_ =	shalt  }
0x71: {  	_ =	shalt  }
0x72: {  	_ =	shalt  }
0x73: {  	_ =	shalt  }
0x74: {  	_ =	shalt  }
0x75: {  	_ =	shalt  }
0x76: {  	_ =	shalt  }
0x77: {  	_ =	shalt  }
0x78: {  	_ =	shalt  }
0x79: {  	_ =	shalt  }
0x7a: {  	_ =	shalt  }
0x7b: {  	_ =	shalt  }
0x7c: {  	_ =	shalt  }
0x7d: {  	_ =	shalt  }
0x7e: {  	_ =	shalt  }
0x7f: {  	_ =	shalt  }
0x80: {  	_ =	shalt  }
0x81: {  	_ =	shalt  }
0x82: {  	_ =	shalt  }
0x83: {  	_ =	shalt  }
0x84: {  	_ =	shalt  }
0x85: {  	_ =	shalt  }
0x86: {  	_ =	shalt  }
0x87: {  	_ =	shalt  }
.Lfunc_end0:
.L_simem_size_0:
called_computation_lowered:
.L_overlay_start_0:
0x88: {  	s2 =	sld [smem:$0x3FD9]  }
0x89: {  	s3 =	sld [smem:$0x3FFE];
	_ =	sdelay $0x1  }
0x8a: {  	s1 =	srdreg.scid  }
0x8b: {  	s0 =	sand.u32 $0x1, s1  }
0x8c: {  	s17 =	sshll.u32 s0, $0xA;
	s2 =	sadd.s32 s3, s2  }
0x8d: {  	s2 =	sadd.s32 s2, s17  }
0x8e: {  	[smem:$0x3FBF] =	sst s2  }
0x8f: {  	_ = 	snop  }
0x90: {  	(tm) =	ssettm $0x1  }
0x91: {  	s18 =	sld [smem:$0x3FFB];
	_ =	sdelay $0x3  }
0x92: {  	_ =	strace s18  }
0x93: {  	s2 =	sld [smem:$0x3FFC];
	_ =	sdelay $0x3  }
0x94: {  	_ =	strace s2  }
0x95: {  	s2 =	sld [smem:$0x3FFD];
	_ =	sdelay $0x3  }
0x96: {  	_ =	strace s2  }
0x97: {  	_ =	strace $0x8FFFFFFF  }
0x98: {  	s19 =	sld [smem:$0x3FDB];
	_ =	sdelay $0x1  }
0x99: {  	s20 =	simm.s32 $_scs_section_size  }
0x9a: {  	s4 =	simm.s32 $_size__tile_overlayer_lowered;
	s5 =	simm.s32 $_tile_overlayer_lowered  }
0x9b: {  	s6 =	simm.s32 $0x1BFF;
	s21 =	sshll.u32 s5, $0x1;
	s3 =	sadd.s32 s20, s19  }
0x9c: {  	s22 =	simm.s32 $0x0;
	s4 =	sshll.u32 s4, $0x1;
	s5 =	sadd.s32 s21, s3  }
0x9d: {  	[timem:s22], [sflag:s6] =	dma.local [hbm:s5], s4  }
0x9e: {  	_ =	swait.ge [sflag:s6], s4  }
0x9f: {  	s4 =	ssub.s32 $0x0, s4;
	[sflag:s6] =	ssyncset.done $0x0  }
0xa0: {  	[sflag:s6] =	ssyncadd.s32 s4;
	_ =	sdelay $0x1  }
0xa1: {  	s23 =	simm.s32 $0x1B8B  }
0xa2: {  	_ =	swait.ge [sflag:s23], $0x1  }
0xa3: {  	[sflag:s23] =	ssyncset.done $0x0  }
0xa4: {  	[sflag:s23] =	ssyncadd.s32 $0xFFFFFFFF  }
0xa5: {  	s4 =	sld [smem:$0x0]  }
0xa6: {  	s5 =	sand.u32 $0xFFFFFFFE, s1  }
0xa7: {  	p0 =	sne.s32 s1, s5  }
0xa8: {  	s5 =	sshll.u32 @p0 s5, $0xE  }
0xa9: {  	s5 =	sadd.s32 @p0 $0x11B8D, s5;
	s6 =	sshll.u32 @p0 s4, $0x11  }
0xaa: {  	s5 =	sor.u32 @p0 s6, s5  }
0xab: {  	[sflag:s5] =	ssyncadd.remote.s32 @p0 $0x1;
	_ =	sdelay $0x1  }
0xac: {  	s5 =	simm.s32 @p0 $0x1B8D  }
0xad: {  	_ =	swait.eq @p0 [sflag:s5], $0x1  }
0xae: {  	[sflag:s5] =	ssyncadd.s32 @p0 $0xFFFFFFFF  }
0xaf: {  	s6 =	sshll.u32 @!p0 s1, $0xE  }
0xb0: {  	s6 =	sor.u32 @!p0 $0x4000, s6;
	s5 =	simm.s32 @!p0 $0x1B8D  }
0xb1: {  	s4 =	sshll.u32 @!p0 s4, $0x11;
	s6 =	sadd.s32 @!p0 $0x11B8D, s6;
	_ =	swait.eq @!p0 [sflag:s5], $0x1  }
0xb2: {  	s4 =	sor.u32 @!p0 s4, s6;
	[sflag:s5] =	ssyncadd.s32 @!p0 $0xFFFFFFFF  }
0xb3: {  	s25 =	simm.s32 $0x1B8E;
	s24 =	sld [smem:$0x3FFE];
	[sflag:s4] =	ssyncadd.remote.s32 @!p0 $0x1  }
0xb4: {  	s26 =	simm.s32 $execute0_lowered;
	[smem:$0x3FD2] =	sst s25  }
0xb5: {  	s5 =	sshll.u32 s26, $0x1;
	_ =	strace $0x80000049;
	[dreg:$0x1] =	wrdreg $0xFFFFFFFF  }
0xb6: {  	s28 =	simm.s32 $_size_execute0_lowered;
	s3 =	sadd.s32 s3, s5;
	[dreg:$0x0] =	wrdreg $0x0  }
0xb7: {  	s5 =	sshll.u32 s28, $0x1;
	[dreg:$0x2] =	wrdreg s3  }
0xb8: {  	[dreg:$0x3] =	wrdreg s5  }
0xb9: {  	[dreg:$0x4] =	wrdreg $0xC0  }
0xba: {  	_ =	task [dreg:s22], $0x5FFFF  }
0xbb: {  	[dreg:$0x1] =	wrdreg $0xFFFFFFFF  }
0xbc: {  	[dreg:$0x0] =	wrdreg $0x60  }
0xbd: {  	[dreg:$0x2] =	wrdreg s24  }
0xbe: {  	[dreg:$0x3] =	wrdreg $0x0  }
0xbf: {  	[dreg:$0x4] =	wrdreg $0x9  }
0xc0: {  	_ =	task.clear_ibuf [dreg:s22], $0x5FFFF;
	_ =	strace $0x90000049  }
0xc1: {  	s29 =	simm.s32 $0x9;
	_ =	strace $0x8000004B  }
0xc2: {  	_ =	swait.ge [sflag:s29], $0x1  }
0xc3: {  	[sflag:s29] =	ssyncadd.s32 $0xFFFFFFFF  }
0xc4: {  	_ =	strace $0x9000004B  }
0xc5: {  	_ =	sfence  }
0xc6: {  	s30 =	sld [smem:$0x0];
	_ =	sdelay $0x2  }
0xc7: {  	s31 =	sshll.u32 s1, $0xD;
	s1 =	sshrl.u32 s1, $0x2  }
0xc8: {  	s4 =	sand.u32 $0x4000, s31;
	s1 =	sadd.s32 s1, s30  }
0xc9: {  	s0 =	sor.u32 s4, s0;
	s1 =	sshll.u32 s1, $0x11  }
0xca: {  	s0 =	sor.u32 s1, s0  }
0xcb: {  	s0 =	sadd.s32 $0x8F2B, s0  }
0xcc: {  	[sflag:s0] =	ssyncadd.remote.s32 $0x1  }
0xcd: {  	_ =	sfence.sel $0xFFFF  }
0xce: {  	[dreg:$0x0] =	wrdreg $0xFFFFFFFF;
	(pc) =	sbr.abs _section_cstart, $3  }
0xcf: {  	[dreg:$0x1] =	wrdreg $0xFFFFFFFF  }
0xd0: {  	_ =	task.clear_ibuf [dreg:s22], $0x2FFFF;
	_ =	strace $0x9FFFFFFF  }
0xd1: {  	(tm) =	ssettm $0x7FFFFFFF  }
tec
execute0_lowered:
.L_overlay_start_1:
0x0: {  	(tag) =	ssettag $0x1  }
0x1: {  	s3 =	srdreg.scid  }
0x2: {  	s6 =	rddreg [dreg:$0x0];
	s10 =	sand.u32 $0x1, s3;
	s3 =	stileid.u32  }
0x3: {  	s1 =	rddreg [dreg:$0x1];
	s2 =	simm.s32 $0x0;
	s12 =	smul.u32 $0x4E000, s3  }
0x4: {  	s20 =	simm.s32 $0x13900;
	[smem:$0x7FF] =	sst s2;
	s24 =	smul.u32 $0x138800, s10  }
0x5: {  	s11 =	sadd.s32 $0x548A00, s6;
	s4 =	sadd.s32 $0x2400, s6;
	s25 =	smul.u32 $0x13800, s3  }
0x6: {  	s5 =	sadd.s32 $0x16000, s6;
	s13 =	sadd.s32 $0x66A00, s6;
	s16 =	smul.u32 $0x27100, s10  }
0x7: {  	s17 =	sadd.s32 $0x138000, s1;
	_ =	strace $0x8000004A;
	s18 =	smul.u32 $0x2710, s3  }
0x8: {  	s7 =	ssub.s32 $0x2, s10;
	s8 =	sshll.u32 s10, $0x4;
	s19 =	smul.u32 $0x271000, s10  }
0x9: {  	s23 =	sshll.u32 s3, $0x6;
	s28 =	smul.u32 $0x27100, s3;
	p0 =	sne.s32 s3, $0xF  }
0xa: {  	s9 =	sshrl.u32 s7, $0x1;
	s8 =	sor.u32 s3, s8;
	s6 =	sor.u32 $0x1C03, s23  }
0xb: {  	s17 =	sshrl.u32 @!p0 s17, $0x3;
	s23 =	simm.s32 $0x50;
	s21 =	smul.u32 $0x2710, s8  }
0xc: {  	s14 =	ssub.s32 s7, s9;
	s22 =	sshrl.u32 s12, $0x2;
	s8 =	smul.u32 $0x27100, s8  }
0xd: {  	s9 =	sadd.s32 s25, s24;
	s12 =	sshrl.u32 s24, $0x3;
	s29 =	sadd.s32 s18, s16  }
0xe: {  	s30 =	sadd.s32 s19, s11;
	s16 =	simm.s32 $0x3;
	s19 =	simm.s32 $0x13980  }
0xf: {  	s24 =	simm.s32 $0x2;
	s25 =	simm.s32 $0x0;
	s15 =	sadd.s32 s22, s1  }
0x10: {  	s9 =	sshrl.u32 s9, $0x3;
	s26 =	sadd.s32 s13, s12;
	s18 =	sadd.s32 $0x50, s29  }
0x11: {  	s12 =	sadd.s32 s28, s30;
	s22 =	simm.s32 $0x1;
	s7 =	sshrl.u32 s21, $0x3  }
0x12: {  	s8 =	sadd.s32 s11, s8;
	s9 =	sadd.s32 s13, s9;
	s10 =	sadd.s32 $0x27000, s26  }
0x13: {  	s11 =	smax.u32 s14, $0x1;
	s31 =	sshrl.u32 s18, $0x3;
	s12 =	sadd.s32 $0xA00, s12  }
0x14: {  	s13 =	sadd.s32 $0xA0, s29;
	s15 =	sshrl.u32 s15, $0x3;
	s18 =	simm.s32 $0x13880  }
0x15: {  	s21 =	simm.s32 $0x16180;
	s7 =	sadd.s32 s4, s7;
	s14 =	sadd.s32 s31, s4  }
.LBB2_1:
0x16: {  	[spmem:s15], [sflag:s6] =	dma.local [hbm:s5], $0x2700  }
0x17: {  	_ =	swait.ge [sflag:s16], $0x2700  }
0x18: {  	[sflag:s16] =	ssyncset.done $0x0  }
0x19: {  	s26 =	simm.s32 @!p0 $0x3;
	[sflag:s16] =	ssyncadd.s32 $0xFFFFD900  }
0x1a: {  	[spmem:s17], [sflag:s6] =	dma.local @!p0 [hbm:s5], $0x100  }
0x1b: {  	_ =	swait.ge @!p0 [sflag:s26], $0x100  }
0x1c: {  	[sflag:s26] =	ssyncset.done @!p0 $0x0  }
0x1d: {  	[sflag:s26] =	ssyncadd.s32 @!p0 $0xFFFFFF00  }
0x1e: {  	[bflag:$0x0] =	sbarrier.arrive $0xFFFF  }
0x1f: {  	[tilespmem:s18], [sflag:$0x3] =	stream.linear.gather [hbm4b:s7+s2], $0x50, $0x38;
	[tilespmem:$0x18980] =	vst v63  }
0x20: {  	_ =	swait.ge [sflag:s16], $0x50  }
0x21: {  	[sflag:s16] =	ssyncset.done $0x0  }
0x22: {  	[sflag:s16] =	ssyncadd.s32 $0xFFFFFFB0  }
0x23: {  	[tilespmem:s19], [sflag:$0x1] =	stream.linear.gather [hbm4b:s8+s2], $0x2800, $0x38;
	[tilespmem:$0x18980] =	vst v63  }
0x24: {  	s31 =	sadd.s32 $0x0, s14  }
0x25: {  	[tilespmem:s20], [sflag:$0x3] =	stream.linear.gather [hbm4b:s31+s2], $0x50, $0x38;
	[tilespmem:$0x18980] =	vst v63  }
0x26: {  	_ =	swait.ge [sflag:s16], $0x50  }
0x27: {  	[sflag:s16] =	ssyncset.done $0x0  }
0x28: {  	s0 =	sadd.s32 $0xFFFFFB00, s12;
	[sflag:s16] =	ssyncadd.s32 $0xFFFFFFB0  }
0x29: {  	[tilespmem:s21], [sflag:$0x2] =	stream.linear.gather [hbm4b:s0+s2], $0x2800, $0x38;
	[tilespmem:$0x18980] =	vst v63  }
0x2a: {  	_ =	swait.ge [sflag:s22], $0x2800  }
0x2b: {  	[sflag:s22] =	ssyncset.done $0x0  }
0x2c: {  	[sflag:s22] =	ssyncadd.s32 $0xFFFFD800  }
0x2d: {  	[spmem:s1] =	stream.indirect.scatter.add.f32 [tilespmem:s19], [sflag:$0x3], $0x80, s18, s23, $0xb8;
	[tilespmem:$0x18980] =	vst v63  }
0x2e: {  	_ =	swait.ge [sflag:s16], $0x2800  }
0x2f: {  	s31 =	sshrl.u32 s13, $0x3;
	[sflag:s16] =	ssyncset.done $0x0  }
0x30: {  	s26 =	sadd.s32 s4, s31;
	[sflag:s16] =	ssyncadd.s32 $0xFFFFD800  }
0x31: {  	[tilespmem:s18], [sflag:$0x3] =	stream.linear.gather [hbm4b:s26+s2], $0x50, $0x38;
	[tilespmem:$0x18980] =	vst v63  }
0x32: {  	_ =	swait.ge [sflag:s16], $0x50  }
0x33: {  	[sflag:s16] =	ssyncset.done $0x0  }
0x34: {  	[sflag:s16] =	ssyncadd.s32 $0xFFFFFFB0  }
0x35: {  	[tilespmem:s19], [sflag:$0x1] =	stream.linear.gather [hbm4b:s12+s2], $0x2800, $0x38;
	[tilespmem:$0x18980] =	vst v63  }
0x36: {  	_ =	swait.ge [sflag:s24], $0x2800  }
0x37: {  	[sflag:s24] =	ssyncset.done $0x0  }
0x38: {  	[sflag:s24] =	ssyncadd.s32 $0xFFFFD800  }
0x39: {  	[spmem:s1] =	stream.indirect.scatter.add.f32 [tilespmem:s21], [sflag:$0x3], $0x80, s20, s23, $0xb8;
	[tilespmem:$0x18980] =	vst v63  }
0x3a: {  	s29 =	simm.s32 $0x14;
	s30 =	simm.s32 $0x28;
	_ =	swait.ge [sflag:s16], $0x2800  }
0x3b: {  	s28 =	sadd.s32 $0xA0, s13;
	s26 =	sadd.s32 $0xA00, s12;
	[sflag:s16] =	ssyncset.done $0x0  }
.LBB2_2:
0x3c: {  	s31 =	sadd.s32 s29, s14  }
0x3d: {  	[sflag:s16] =	ssyncadd.s32 $0xFFFFD800;
	s29 =	smov.u32 s30;
	s0 =	sadd.s32 $0x14, s30  }
0x3e: {  	[tilespmem:s20], [sflag:$0x3] =	stream.linear.gather [hbm4b:s31+s2], $0x50, $0x38;
	[tilespmem:$0x18980] =	vst v63  }
0x3f: {  	p1 =	sne.s32 s30, $0x4C4;
	_ =	swait.ge [sflag:s16], $0x50  }
0x40: {  	[sflag:s16] =	ssyncset.done $0x0  }
0x41: {  	s30 =	sadd.s32 $0xFFFFFB00, s26;
	[sflag:s16] =	ssyncadd.s32 $0xFFFFFFB0  }
0x42: {  	[tilespmem:s21], [sflag:$0x2] =	stream.linear.gather [hbm4b:s30+s2], $0x2800, $0x38;
	[tilespmem:$0x18980] =	vst v63  }
0x43: {  	_ =	swait.ge [sflag:s22], $0x2800  }
0x44: {  	[sflag:s22] =	ssyncset.done $0x0  }
0x45: {  	[sflag:s22] =	ssyncadd.s32 $0xFFFFD800  }
0x46: {  	[spmem:s1] =	stream.indirect.scatter.add.f32 [tilespmem:s19], [sflag:$0x3], $0x80, s18, s23, $0xb8;
	[tilespmem:$0x18980] =	vst v63  }
0x47: {  	_ =	swait.ge [sflag:s16], $0x2800  }
0x48: {  	s30 =	sshrl.u32 s28, $0x3;
	[sflag:s16] =	ssyncset.done $0x0  }
0x49: {  	s30 =	sadd.s32 s4, s30;
	[sflag:s16] =	ssyncadd.s32 $0xFFFFD800  }
0x4a: {  	[tilespmem:s18], [sflag:$0x3] =	stream.linear.gather [hbm4b:s30+s2], $0x50, $0x38;
	[tilespmem:$0x18980] =	vst v63  }
0x4b: {  	_ =	swait.ge [sflag:s16], $0x50  }
0x4c: {  	[sflag:s16] =	ssyncset.done $0x0  }
0x4d: {  	[sflag:s16] =	ssyncadd.s32 $0xFFFFFFB0  }
0x4e: {  	[tilespmem:s19], [sflag:$0x1] =	stream.linear.gather [hbm4b:s26+s2], $0x2800, $0x38;
	[tilespmem:$0x18980] =	vst v63  }
0x4f: {  	_ =	swait.ge [sflag:s24], $0x2800  }
.Ltmp0:
0x50: {  	[sflag:s24] =	ssyncset.done $0x0;
	(pc) =	sbr.rel @p1 .LBB2_2-.Ltmp0, $4  }
0x51: {  	[sflag:s24] =	ssyncadd.s32 $0xFFFFD800  }
0x52: {  	[spmem:s1] =	stream.indirect.scatter.add.f32 [tilespmem:s21], [sflag:$0x3], $0x80, s20, s23, $0xb8;
	[tilespmem:$0x18980] =	vst v63  }
0x53: {  	s28 =	sadd.s32 $0xA0, s28;
	_ =	swait.ge [sflag:s16], $0x2800  }
0x54: {  	s30 =	smov.u32 s0;
	s26 =	sadd.s32 $0xA00, s26;
	[sflag:s16] =	ssyncset.done $0x0  }
0x55: {  	s0 =	sadd.s32 s29, s14;
	[sflag:s16] =	ssyncadd.s32 $0xFFFFD800  }
0x56: {  	[tilespmem:s20], [sflag:$0x3] =	stream.linear.gather [hbm4b:s0+s2], $0x50, $0x38;
	[tilespmem:$0x18980] =	vst v63  }
0x57: {  	_ =	swait.ge [sflag:s16], $0x50  }
0x58: {  	[sflag:s16] =	ssyncset.done $0x0  }
0x59: {  	s30 =	sadd.s32 $0xFFFFFB00, s26;
	[sflag:s16] =	ssyncadd.s32 $0xFFFFFFB0  }
0x5a: {  	[tilespmem:s21], [sflag:$0x2] =	stream.linear.gather [hbm4b:s30+s2], $0x2800, $0x38;
	[tilespmem:$0x18980] =	vst v63  }
0x5b: {  	_ =	swait.ge [sflag:s22], $0x2800  }
0x5c: {  	[sflag:s22] =	ssyncset.done $0x0  }
0x5d: {  	[sflag:s22] =	ssyncadd.s32 $0xFFFFD800  }
0x5e: {  	[spmem:s1] =	stream.indirect.scatter.add.f32 [tilespmem:s19], [sflag:$0x3], $0x80, s18, s23, $0xb8;
	[tilespmem:$0x18980] =	vst v63  }
0x5f: {  	_ =	swait.ge [sflag:s16], $0x2800  }
0x60: {  	s31 =	sshrl.u32 s28, $0x3;
	[sflag:s16] =	ssyncset.done $0x0  }
0x61: {  	s0 =	sadd.s32 s4, s31;
	[sflag:s16] =	ssyncadd.s32 $0xFFFFD800  }
0x62: {  	[tilespmem:s18], [sflag:$0x3] =	stream.linear.gather [hbm4b:s0+s2], $0x50, $0x38;
	[tilespmem:$0x18980] =	vst v63  }
0x63: {  	_ =	swait.ge [sflag:s16], $0x50  }
0x64: {  	[sflag:s16] =	ssyncset.done $0x0  }
0x65: {  	[sflag:s16] =	ssyncadd.s32 $0xFFFFFFB0  }
0x66: {  	[tilespmem:s19], [sflag:$0x1] =	stream.linear.gather [hbm4b:s26+s2], $0x2800, $0x38;
	[tilespmem:$0x18980] =	vst v63  }
0x67: {  	_ =	swait.ge [sflag:s24], $0x2800  }
0x68: {  	[sflag:s24] =	ssyncset.done $0x0  }
0x69: {  	[sflag:s24] =	ssyncadd.s32 $0xFFFFD800  }
0x6a: {  	[spmem:s1] =	stream.indirect.scatter.add.f32 [tilespmem:s21], [sflag:$0x3], $0x80, s20, s23, $0xb8;
	[tilespmem:$0x18980] =	vst v63  }
0x6b: {  	_ =	swait.ge [sflag:s16], $0x2800  }
0x6c: {  	[sflag:s16] =	ssyncset.done $0x0  }
0x6d: {  	[sflag:s16] =	ssyncadd.s32 $0xFFFFD800  }
0x6e: {  	_ =	swait.ge [sflag:s22], $0x2800  }
0x6f: {  	[sflag:s22] =	ssyncset.done $0x0  }
0x70: {  	[sflag:s22] =	ssyncadd.s32 $0xFFFFD800  }
0x71: {  	[spmem:s1] =	stream.indirect.scatter.add.f32 [tilespmem:s19], [sflag:$0x3], $0x80, s18, s23, $0xb8;
	[tilespmem:$0x18980] =	vst v63  }
0x72: {  	_ =	swait.ge [sflag:s16], $0x2800  }
0x73: {  	[sflag:s16] =	ssyncset.done $0x0  }
0x74: {  	[sflag:s16] =	ssyncadd.s32 $0xFFFFD800  }
0x75: {  	[bflag:$0x0] =	sbarrier.arrive $0xFFFF  }
0x76: {  	[hbm:s9], [sflag:s6] =	dma.local [spmem:s15], $0x2700  }
0x77: {  	s25 =	sadd.s32 $0x1, s25;
	_ =	swait.ge [sflag:s16], $0x2700  }
0x78: {  	p1 =	sne.s32 s25, s11;
	[sflag:s16] =	ssyncset.done $0x0  }
.Ltmp1:
0x79: {  	s0 =	simm.s32 @!p0 $0x3;
	[sflag:s16] =	ssyncadd.s32 $0xFFFFD900;
	(pc) =	sbr.rel @p1 .LBB2_1-.Ltmp1, $4  }
0x7a: {  	[hbm:s10], [sflag:s6] =	dma.local @!p0 [spmem:s17], $0x100  }
0x7b: {  	_ =	swait.ge @!p0 [sflag:s0], $0x100  }
0x7c: {  	[sflag:s0] =	ssyncset.done @!p0 $0x0  }
0x7d: {  	[sflag:s0] =	ssyncadd.s32 @!p0 $0xFFFFFF00  }
0x7e: {  	_ =	sfence.sel $0x180000  }
0x7f: {  	[bflag:$0x0] =	sbarrier.arrive $0xFFFF  }
0x80: {  	_ =	strace $0x9000004A  }
0x81: {  	[bflag:$0x2] =	sbarrier.arrive $0xFFFF  }
0x82: {  	p0 =	sne.s32 s3, $0x0;
	s0 =	rddreg [dreg:$0x2]  }
0x83: {  	s0 =	sadd.s32 @!p0 $0x100000, s0  }
0x84: {  	[sflag:s0] =	ssyncadd.tile.s32 @!p0 $0x1;
	_ =	shalt  }
.Lfunc_end2:
_tile_overlayer_lowered:
.L_overlay_start_2:
0x85: {  	(tag) =	ssettag $0x2  }
0x86: {  	s0 =	rddreg [dreg:$0x0];
	s2 =	stileid.u32  }
0x87: {  	s1 =	rddreg [dreg:$0x1];
	p0 =	sne.s32 s2, $0x0  }
0x88: {  	s3 =	rddreg [dreg:$0x2];
	[bflag:$0x3] =	sbarrier.arrive $0xFFFF;
	s2 =	simm.s32 @!p0 $0x1C03  }
0x89: {  	[timem:s3], [sflag:s2] =	dma.local @!p0 [hbm:s0], s1  }
0x8a: {  	s0 =	simm.s32 @!p0 $0x3  }
0x8b: {  	_ =	swait.ge @!p0 [sflag:s0], s1  }
0x8c: {  	s1 =	ssub.s32 @!p0 $0x0, s1;
	[sflag:s0] =	ssyncset.done @!p0 $0x0  }
0x8d: {  	[sflag:s0] =	ssyncadd.s32 @!p0 s1  }
0x8e: {  	[bflag:$0x3] =	sbarrier.arrive $0xFFFF  }
0x8f: {  	_ =	shalt  }

</sc_bundles>
